<compile_context>
chip_gen: v7x
topology: tpu7x:2x2x1
jax: 0.10.2.dev20260603
libtpu: 0.0.44.dev20260713+nightly
codegen_flags: <defaults>
</compile_context>

<pallas_src>
import functools

import jax
import jax.numpy as jnp
from jax import lax
from jax.experimental import pallas as pl
from jax.experimental.pallas import tpu as pltpu
from jax.experimental.pallas import tpu_sc as plsc

NC, NS, L = 2, 16, 16
NW = NC * NS
T = 8192
TPW = T // NW
CAP = TPW
XROWS = T + L
CUT = (0, 20000, 40000, 200000, 1000000)
DW = (1024, 512, 256, 128)
GB = (16, 16, 16, 16)
D_OUT = 1024
R = 512
NT = T // R


def _sc_body(ids_hbm, e0, e1, e2, e3, x_out,
             idsv, li0, li1, li2, li3, lp0, lp1, lp2, lp3,
             gb0, gb1, gb2, gb3, sem_g, sem_s):
    bufs = (gb0, gb1, gb2, gb3)
    lidx = (li0, li1, li2, li3)
    lpos = (lp0, lp1, lp2, lp3)
    tables = (e0, e1, e2, e3)
    wid = lax.axis_index("s") * NC + lax.axis_index("c")
    base = wid * TPW
    with jax.named_scope("sc_load_ids"):
        pltpu.sync_copy(ids_hbm.at[pl.ds(base, TPW)], idsv)

    with jax.named_scope("sc_prefill"):
        zeros = jnp.zeros((L,), jnp.int32)
        dummy = jnp.full((L,), T, jnp.int32)
        for j in range(CAP // L):
            for b in range(4):
                lidx[b][pl.ds(j * L, L)] = zeros
                lpos[b][pl.ds(j * L, L)] = dummy

    lane = lax.iota(jnp.int32, L)

    def cbody(j, ps):
        v = idsv[pl.ds(j * L, L)]
        pos = lane + (base + j * L)
        masks = (
            v < CUT[1],
            (v >= CUT[1]) & (v < CUT[2]),
            (v >= CUT[2]) & (v < CUT[3]),
            v >= CUT[3],
        )
        locs = (v, v - CUT[1], v - CUT[2], v - CUT[3])
        out_ps = []
        for b in range(4):
            mi = masks[b].astype(jnp.int32)
            c = plsc.cumsum(mi)
            dst = (c - mi) + ps[b]
            plsc.store_scatter(lidx[b], [dst], locs[b], mask=masks[b])
            plsc.store_scatter(lpos[b], [dst], pos, mask=masks[b])
            out_ps.append(ps[b] + jnp.sum(mi))
        return tuple(out_ps)

    z = jnp.int32(0)
    with jax.named_scope("sc_compact"):
        ps = lax.fori_loop(0, TPW // L, cbody, (z, z, z, z))

    for b in range(4):
        d = DW[b]
        n = (ps[b] + (L - 1)) // L

        def _scat_desc(i, b=b, d=d):
            pos_v = lpos[b][pl.ds(i * L, L)]
            buf = bufs[b].at[pl.ds(lax.rem(i, 2) * L, L)]
            if d == D_OUT:
                dst = x_out.at[pos_v]
            else:
                dst = x_out.at[pos_v, pl.ds(0, d)]
            return pltpu.make_async_copy(buf, dst, sem_s)

        def _gath_desc(i, b=b):
            idx_v = lidx[b][pl.ds(i * L, L)]
            buf = bufs[b].at[pl.ds(lax.rem(i, 2) * L, L)]
            return pltpu.make_async_copy(tables[b].at[idx_v], buf, sem_g)

        def gbody(i, _, _scat_desc=_scat_desc, _gath_desc=_gath_desc, n=n):
            _gath_desc(i).wait()

            @pl.when(i >= 1)
            def _():
                _scat_desc(i - 1).wait()

            @pl.when(i + 1 < n)
            def _():
                _gath_desc(i + 1).start()

            _scat_desc(i).start()
            return 0

        with jax.named_scope(f"sc_dma_b{b}"):
            @pl.when(n > 0)
            def _(_gath_desc=_gath_desc):
                _gath_desc(0).start()

            lax.fori_loop(0, n, gbody, 0)

            @pl.when(n > 0)
            def _(n=n, _scat_desc=_scat_desc):
                _scat_desc(n - 1).wait()


def _sc_gather(ids, e0, e1, e2, e3):
    mesh = plsc.VectorSubcoreMesh(core_axis_name="c", subcore_axis_name="s",
                                  num_cores=NC, num_subcores=NS)
    f = pl.kernel(
        _sc_body,
        out_type=jax.ShapeDtypeStruct((XROWS, D_OUT), jnp.float32),
        mesh=mesh,
        compiler_params=pltpu.CompilerParams(needs_layout_passes=False),
        scratch_types=[
            pltpu.VMEM((TPW,), jnp.int32),
            pltpu.VMEM((CAP,), jnp.int32),
            pltpu.VMEM((CAP,), jnp.int32),
            pltpu.VMEM((CAP,), jnp.int32),
            pltpu.VMEM((CAP,), jnp.int32),
            pltpu.VMEM((CAP,), jnp.int32),
            pltpu.VMEM((CAP,), jnp.int32),
            pltpu.VMEM((CAP,), jnp.int32),
            pltpu.VMEM((CAP,), jnp.int32),
            pltpu.VMEM((2 * L, DW[0]), jnp.float32),
            pltpu.VMEM((2 * L, DW[1]), jnp.float32),
            pltpu.VMEM((2 * L, DW[2]), jnp.float32),
            pltpu.VMEM((2 * L, DW[3]), jnp.float32),
            pltpu.SemaphoreType.DMA,
            pltpu.SemaphoreType.DMA,
        ],
    )
    return f(ids, e0, e1, e2, e3)


def _tc_body(ids_ref, x_ref, w1_ref, w2_ref, w3_ref, o_ref):
    v = ids_ref[0, 0, :][:, None]
    x = x_ref[...]
    acc = jnp.where(v < CUT[1], x, 0.0)
    m1 = (v >= CUT[1]) & (v < CUT[2])
    acc += jnp.dot(jnp.where(m1, x[:, :DW[1]], 0.0).astype(jnp.bfloat16),
                   w1_ref[...].astype(jnp.bfloat16),
                   preferred_element_type=jnp.float32)
    m2 = (v >= CUT[2]) & (v < CUT[3])
    acc += jnp.dot(jnp.where(m2, x[:, :DW[2]], 0.0).astype(jnp.bfloat16),
                   w2_ref[...].astype(jnp.bfloat16),
                   preferred_element_type=jnp.float32)
    m3 = v >= CUT[3]
    acc += jnp.dot(jnp.where(m3, x[:, :DW[3]], 0.0).astype(jnp.bfloat16),
                   w3_ref[...].astype(jnp.bfloat16),
                   preferred_element_type=jnp.float32)
    o_ref[...] = acc


def _tc_project(ids3, x, w1, w2, w3):
    return pl.pallas_call(
        _tc_body,
        grid=(NT,),
        in_specs=[
            pl.BlockSpec((1, 1, R), lambda i: (i, 0, 0)),
            pl.BlockSpec((R, D_OUT), lambda i: (i, 0)),
            pl.BlockSpec((DW[1], D_OUT), lambda i: (0, 0)),
            pl.BlockSpec((DW[2], D_OUT), lambda i: (0, 0)),
            pl.BlockSpec((DW[3], D_OUT), lambda i: (0, 0)),
        ],
        out_specs=pl.BlockSpec((R, D_OUT), lambda i: (i, 0)),
        out_shape=jax.ShapeDtypeStruct((T, D_OUT), jnp.float32),
    )(ids3, x, w1, w2, w3)


def kernel(input_ids, E0, E1, E2, E3, W1, W2, W3):
    ids = input_ids.reshape(T)
    x = _sc_gather(ids, E0, E1, E2, E3)
    ids3 = ids.reshape(NT, 1, R)
    out = _tc_project(ids3, x, W1, W2, W3)
    return out.reshape(input_ids.shape + (D_OUT,))

# --- scband reference (transcript-rebuilt; emitter-appended) ---
"""Pipeline reference for scband-adaptive-input-27745488732194 (READ-ONLY COPY).

The authoritative reference and input builder live on the scoring server;
editing this copy changes nothing except your own understanding.
"""

import jax, jax.numpy as jnp
import numpy as np

VOCAB_SIZE = 1000000
D_MODEL = 1024
CUTOFFS = [0, 20000, 40000, 200000, 1000000]


def setup_inputs(seed: int = 0) -> dict:
    key = jax.random.key(seed)
    ks = jax.random.split(key, 8)
    input_ids = jax.random.randint(ks[0], (4, 2048), 0, VOCAB_SIZE, dtype=jnp.int32)
    # Embedding tables per bucket (sizes follow AdaptiveInput.__init__ with div_value=2.0)
    E0 = jax.random.normal(ks[1], (20000, 1024), dtype=jnp.float32) * 0.02
    E1 = jax.random.normal(ks[2], (20000, 512), dtype=jnp.float32) * 0.02
    E2 = jax.random.normal(ks[3], (160000, 256), dtype=jnp.float32) * 0.02
    E3 = jax.random.normal(ks[4], (800000, 128), dtype=jnp.float32) * 0.02
    # Projections to d_model (torch Linear weight [out,in]; stored here as [in,out])
    W1 = jax.random.normal(ks[5], (512, 1024), dtype=jnp.float32) * 0.02
    W2 = jax.random.normal(ks[6], (256, 1024), dtype=jnp.float32) * 0.02
    W3 = jax.random.normal(ks[7], (128, 1024), dtype=jnp.float32) * 0.02
    return {"input_ids": input_ids, "E0": E0, "E1": E1, "E2": E2, "E3": E3, "W1": W1, "W2": W2, "W3": W3}


def reference(input_ids, E0, E1, E2, E3, W1, W2, W3):
    ids = input_ids
    out = jnp.zeros(ids.shape + (D_MODEL,), dtype=jnp.float32)
    tables = [E0, E1, E2, E3]
    projs = [None, W1, W2, W3]  # bucket 0 uses Identity projection
    prev = 0
    for i, (tab, W) in enumerate(zip(tables, projs)):
        curr = CUTOFFS[i + 1]
        mask = (ids >= prev) & (ids < curr)
        local = jnp.clip(ids - prev, 0, tab.shape[0] - 1)
        emb = jnp.take(tab, local, axis=0)
        if W is not None:
            emb = emb @ W
        out = out + jnp.where(mask[..., None], emb, 0.0)
        prev = curr
    return out

if __name__ == "__main__":
    import jax
    _d = setup_inputs()
    print(jax.jit(kernel)(*tuple(_d.values())))

</pallas_src>

<mosaic_0001>
#map = affine_map<(d0, d1) -> (0)>
#map1 = affine_map<(d0, d1) -> (0, 0)>
module attributes {stable_mosaic.version = 14 : i64} {
  func.func @_sc_body(%arg0: i32, %arg1: i32, %arg2: memref<8192xi32, #tpu.memory_space<hbm>>, %arg3: memref<20000x1024xf32, #tpu.memory_space<hbm>>, %arg4: memref<20000x512xf32, #tpu.memory_space<hbm>>, %arg5: memref<160000x256xf32, #tpu.memory_space<hbm>>, %arg6: memref<800000x128xf32, #tpu.memory_space<hbm>>, %arg7: memref<8208x1024xf32, #tpu.memory_space<hbm>>, %arg8: memref<256xi32, #tpu.memory_space<vmem>>, %arg9: memref<256xi32, #tpu.memory_space<vmem>>, %arg10: memref<256xi32, #tpu.memory_space<vmem>>, %arg11: memref<256xi32, #tpu.memory_space<vmem>>, %arg12: memref<256xi32, #tpu.memory_space<vmem>>, %arg13: memref<256xi32, #tpu.memory_space<vmem>>, %arg14: memref<256xi32, #tpu.memory_space<vmem>>, %arg15: memref<256xi32, #tpu.memory_space<vmem>>, %arg16: memref<256xi32, #tpu.memory_space<vmem>>, %arg17: memref<32x1024xf32, #tpu.memory_space<vmem>>, %arg18: memref<32x512xf32, #tpu.memory_space<vmem>>, %arg19: memref<32x256xf32, #tpu.memory_space<vmem>>, %arg20: memref<32x128xf32, #tpu.memory_space<vmem>>, %arg21: memref<!tpu.dma_semaphore, #tpu.memory_space<semaphore_mem>>, %arg22: memref<!tpu.dma_semaphore, #tpu.memory_space<semaphore_mem>>) attributes {dimension_semantics = [#tpu.dimension_semantics<core_parallel>, #tpu.dimension_semantics<subcore_parallel>], iteration_bounds = array<i64: 2, 16>, scalar_prefetch = 0 : i64, scratch_operands = 15 : i64, tpu.core_type = #tpu.core_type<sc_vector_subcore>, window_params = [{transform_indices = #map}, {transform_indices = #map1}, {transform_indices = #map1}, {transform_indices = #map1}, {transform_indices = #map1}, {transform_indices = #map1}]} {
    %mul3A = arith.constant 2 : i32
    %mul3A_0 = arith.muli %arg1, %mul3A : i32
    %add3A = arith.addi %mul3A_0, %arg0 : i32
    %mul3A_1 = arith.constant 256 : i32
    %mul3A_2 = arith.muli %add3A, %mul3A_1 : i32
    "tpu.trace_start"() <{level = 10 : i32, message = "sc_load_ids"}> : () -> ()
    "tpu.region"() ({
      %run_scoped3A = tpu.sem_alloc : memref<!tpu.dma_semaphore, #tpu.memory_space<semaphore_mem>>
      %dma_start3A = tpu.memref_slice %arg2[%mul3A_2] : memref<8192xi32, #tpu.memory_space<hbm>> -> memref<256xi32, #tpu.memory_space<hbm>>
      %dma_start3A_450 = tpu.memref_slice %arg2[%mul3A_2] : memref<8192xi32, #tpu.memory_space<hbm>> -> memref<256xi32, #tpu.memory_space<hbm>>
      tpu.enqueue_dma source(%dma_start3A_450 : memref<256xi32, #tpu.memory_space<hbm>>) target(%arg8 : memref<256xi32, #tpu.memory_space<vmem>>) target_semaphore(%run_scoped3A : memref<!tpu.dma_semaphore, #tpu.memory_space<semaphore_mem>>)
      %dma_wait3A = tpu.memref_slice %arg2[%mul3A_2] : memref<8192xi32, #tpu.memory_space<hbm>> -> memref<256xi32, #tpu.memory_space<hbm>>
      %dma_wait3A_451 = tpu.memref_slice %arg2[%mul3A_2] : memref<8192xi32, #tpu.memory_space<hbm>> -> memref<256xi32, #tpu.memory_space<hbm>>
      tpu.wait_dma2 semaphore(%run_scoped3A : memref<!tpu.dma_semaphore, #tpu.memory_space<semaphore_mem>>) src(%dma_wait3A_451 : memref<256xi32, #tpu.memory_space<hbm>>) dst(%arg8 : memref<256xi32, #tpu.memory_space<vmem>>)
      tpu.yield
    }) : () -> ()
    %broadcast_in_dim3A = arith.constant 0 : i32
    "tpu.trace_stop"() : () -> ()
    "tpu.trace_start"() <{level = 10 : i32, message = "sc_prefill"}> : () -> ()
    %broadcast_in_dim3A_3 = vector.broadcast %broadcast_in_dim3A : i32 to vector<16xi32>
    %broadcast_in_dim3A_4 = arith.constant 8192 : i32
    %broadcast_in_dim3A_5 = vector.broadcast %broadcast_in_dim3A_4 : i32 to vector<16xi32>
    %swap3A = arith.constant 0 : index
    %swap3A_6 = tpu.vector_load %arg9[%swap3A] {strides = array<i32>} : memref<256xi32, #tpu.memory_space<vmem>>, vector<16xi32>,
    tpu.vector_store %arg9[%swap3A], %broadcast_in_dim3A_3 {strides = array<i32>} : memref<256xi32, #tpu.memory_space<vmem>>, vector<16xi32>,
    %swap3A_7 = arith.constant 0 : index
    %swap3A_8 = tpu.vector_load %arg13[%swap3A_7] {strides = array<i32>} : memref<256xi32, #tpu.memory_space<vmem>>, vector<16xi32>,
    tpu.vector_store %arg13[%swap3A_7], %broadcast_in_dim3A_5 {strides = array<i32>} : memref<256xi32, #tpu.memory_space<vmem>>, vector<16xi32>,
    %swap3A_9 = arith.constant 0 : index
    %swap3A_10 = tpu.vector_load %arg10[%swap3A_9] {strides = array<i32>} : memref<256xi32, #tpu.memory_space<vmem>>, vector<16xi32>,
    tpu.vector_store %arg10[%swap3A_9], %broadcast_in_dim3A_3 {strides = array<i32>} : memref<256xi32, #tpu.memory_space<vmem>>, vector<16xi32>,
    %swap3A_11 = arith.constant 0 : index
    %swap3A_12 = tpu.vector_load %arg14[%swap3A_11] {strides = array<i32>} : memref<256xi32, #tpu.memory_space<vmem>>, vector<16xi32>,
    tpu.vector_store %arg14[%swap3A_11], %broadcast_in_dim3A_5 {strides = array<i32>} : memref<256xi32, #tpu.memory_space<vmem>>, vector<16xi32>,
    %swap3A_13 = arith.constant 0 : index
    %swap3A_14 = tpu.vector_load %arg11[%swap3A_13] {strides = array<i32>} : memref<256xi32, #tpu.memory_space<vmem>>, vector<16xi32>,
    tpu.vector_store %arg11[%swap3A_13], %broadcast_in_dim3A_3 {strides = array<i32>} : memref<256xi32, #tpu.memory_space<vmem>>, vector<16xi32>,
    %swap3A_15 = arith.constant 0 : index
    %swap3A_16 = tpu.vector_load %arg15[%swap3A_15] {strides = array<i32>} : memref<256xi32, #tpu.memory_space<vmem>>, vector<16xi32>,
    tpu.vector_store %arg15[%swap3A_15], %broadcast_in_dim3A_5 {strides = array<i32>} : memref<256xi32, #tpu.memory_space<vmem>>, vector<16xi32>,
    %swap3A_17 = arith.constant 0 : index
    %swap3A_18 = tpu.vector_load %arg12[%swap3A_17] {strides = array<i32>} : memref<256xi32, #tpu.memory_space<vmem>>, vector<16xi32>,
    tpu.vector_store %arg12[%swap3A_17], %broadcast_in_dim3A_3 {strides = array<i32>} : memref<256xi32, #tpu.memory_space<vmem>>, vector<16xi32>,
    %swap3A_19 = arith.constant 0 : index
    %swap3A_20 = tpu.vector_load %arg16[%swap3A_19] {strides = array<i32>} : memref<256xi32, #tpu.memory_space<vmem>>, vector<16xi32>,
    tpu.vector_store %arg16[%swap3A_19], %broadcast_in_dim3A_5 {strides = array<i32>} : memref<256xi32, #tpu.memory_space<vmem>>, vector<16xi32>,
    %swap3A_21 = arith.constant 16 : index
    %swap3A_22 = tpu.vector_load %arg9[%swap3A_21] {strides = array<i32>} : memref<256xi32, #tpu.memory_space<vmem>>, vector<16xi32>,
    tpu.vector_store %arg9[%swap3A_21], %broadcast_in_dim3A_3 {strides = array<i32>} : memref<256xi32, #tpu.memory_space<vmem>>, vector<16xi32>,
    %swap3A_23 = arith.constant 16 : index
    %swap3A_24 = tpu.vector_load %arg13[%swap3A_23] {strides = array<i32>} : memref<256xi32, #tpu.memory_space<vmem>>, vector<16xi32>,
    tpu.vector_store %arg13[%swap3A_23], %broadcast_in_dim3A_5 {strides = array<i32>} : memref<256xi32, #tpu.memory_space<vmem>>, vector<16xi32>,
    %swap3A_25 = arith.constant 16 : index
    %swap3A_26 = tpu.vector_load %arg10[%swap3A_25] {strides = array<i32>} : memref<256xi32, #tpu.memory_space<vmem>>, vector<16xi32>,
    tpu.vector_store %arg10[%swap3A_25], %broadcast_in_dim3A_3 {strides = array<i32>} : memref<256xi32, #tpu.memory_space<vmem>>, vector<16xi32>,
    %swap3A_27 = arith.constant 16 : index
    %swap3A_28 = tpu.vector_load %arg14[%swap3A_27] {strides = array<i32>} : memref<256xi32, #tpu.memory_space<vmem>>, vector<16xi32>,
    tpu.vector_store %arg14[%swap3A_27], %broadcast_in_dim3A_5 {strides = array<i32>} : memref<256xi32, #tpu.memory_space<vmem>>, vector<16xi32>,
    %swap3A_29 = arith.constant 16 : index
    %swap3A_30 = tpu.vector_load %arg11[%swap3A_29] {strides = array<i32>} : memref<256xi32, #tpu.memory_space<vmem>>, vector<16xi32>,
    tpu.vector_store %arg11[%swap3A_29], %broadcast_in_dim3A_3 {strides = array<i32>} : memref<256xi32, #tpu.memory_space<vmem>>, vector<16xi32>,
    %swap3A_31 = arith.constant 16 : index
    %swap3A_32 = tpu.vector_load %arg15[%swap3A_31] {strides = array<i32>} : memref<256xi32, #tpu.memory_space<vmem>>, vector<16xi32>,
    tpu.vector_store %arg15[%swap3A_31], %broadcast_in_dim3A_5 {strides = array<i32>} : memref<256xi32, #tpu.memory_space<vmem>>, vector<16xi32>,
    %swap3A_33 = arith.constant 16 : index
    %swap3A_34 = tpu.vector_load %arg12[%swap3A_33] {strides = array<i32>} : memref<256xi32, #tpu.memory_space<vmem>>, vector<16xi32>,
    tpu.vector_store %arg12[%swap3A_33], %broadcast_in_dim3A_3 {strides = array<i32>} : memref<256xi32, #tpu.memory_space<vmem>>, vector<16xi32>,
    %swap3A_35 = arith.constant 16 : index
    %swap3A_36 = tpu.vector_load %arg16[%swap3A_35] {strides = array<i32>} : memref<256xi32, #tpu.memory_space<vmem>>, vector<16xi32>,
    tpu.vector_store %arg16[%swap3A_35], %broadcast_in_dim3A_5 {strides = array<i32>} : memref<256xi32, #tpu.memory_space<vmem>>, vector<16xi32>,
    %swap3A_37 = arith.constant 32 : index
    %swap3A_38 = tpu.vector_load %arg9[%swap3A_37] {strides = array<i32>} : memref<256xi32, #tpu.memory_space<vmem>>, vector<16xi32>,
    tpu.vector_store %arg9[%swap3A_37], %broadcast_in_dim3A_3 {strides = array<i32>} : memref<256xi32, #tpu.memory_space<vmem>>, vector<16xi32>,
    %swap3A_39 = arith.constant 32 : index
    %swap3A_40 = tpu.vector_load %arg13[%swap3A_39] {strides = array<i32>} : memref<256xi32, #tpu.memory_space<vmem>>, vector<16xi32>,
    tpu.vector_store %arg13[%swap3A_39], %broadcast_in_dim3A_5 {strides = array<i32>} : memref<256xi32, #tpu.memory_space<vmem>>, vector<16xi32>,
    %swap3A_41 = arith.constant 32 : index
    %swap3A_42 = tpu.vector_load %arg10[%swap3A_41] {strides = array<i32>} : memref<256xi32, #tpu.memory_space<vmem>>, vector<16xi32>,
    tpu.vector_store %arg10[%swap3A_41], %broadcast_in_dim3A_3 {strides = array<i32>} : memref<256xi32, #tpu.memory_space<vmem>>, vector<16xi32>,
    %swap3A_43 = arith.constant 32 : index
    %swap3A_44 = tpu.vector_load %arg14[%swap3A_43] {strides = array<i32>} : memref<256xi32, #tpu.memory_space<vmem>>, vector<16xi32>,
    tpu.vector_store %arg14[%swap3A_43], %broadcast_in_dim3A_5 {strides = array<i32>} : memref<256xi32, #tpu.memory_space<vmem>>, vector<16xi32>,
    %swap3A_45 = arith.constant 32 : index
    %swap3A_46 = tpu.vector_load %arg11[%swap3A_45] {strides = array<i32>} : memref<256xi32, #tpu.memory_space<vmem>>, vector<16xi32>,
    tpu.vector_store %arg11[%swap3A_45], %broadcast_in_dim3A_3 {strides = array<i32>} : memref<256xi32, #tpu.memory_space<vmem>>, vector<16xi32>,
    %swap3A_47 = arith.constant 32 : index
    %swap3A_48 = tpu.vector_load %arg15[%swap3A_47] {strides = array<i32>} : memref<256xi32, #tpu.memory_space<vmem>>, vector<16xi32>,
    tpu.vector_store %arg15[%swap3A_47], %broadcast_in_dim3A_5 {strides = array<i32>} : memref<256xi32, #tpu.memory_space<vmem>>, vector<16xi32>,
    %swap3A_49 = arith.constant 32 : index
    %swap3A_50 = tpu.vector_load %arg12[%swap3A_49] {strides = array<i32>} : memref<256xi32, #tpu.memory_space<vmem>>, vector<16xi32>,
    tpu.vector_store %arg12[%swap3A_49], %broadcast_in_dim3A_3 {strides = array<i32>} : memref<256xi32, #tpu.memory_space<vmem>>, vector<16xi32>,
    %swap3A_51 = arith.constant 32 : index
    %swap3A_52 = tpu.vector_load %arg16[%swap3A_51] {strides = array<i32>} : memref<256xi32, #tpu.memory_space<vmem>>, vector<16xi32>,
    tpu.vector_store %arg16[%swap3A_51], %broadcast_in_dim3A_5 {strides = array<i32>} : memref<256xi32, #tpu.memory_space<vmem>>, vector<16xi32>,
    %swap3A_53 = arith.constant 48 : index
    %swap3A_54 = tpu.vector_load %arg9[%swap3A_53] {strides = array<i32>} : memref<256xi32, #tpu.memory_space<vmem>>, vector<16xi32>,
    tpu.vector_store %arg9[%swap3A_53], %broadcast_in_dim3A_3 {strides = array<i32>} : memref<256xi32, #tpu.memory_space<vmem>>, vector<16xi32>,
    %swap3A_55 = arith.constant 48 : index
    %swap3A_56 = tpu.vector_load %arg13[%swap3A_55] {strides = array<i32>} : memref<256xi32, #tpu.memory_space<vmem>>, vector<16xi32>,
    tpu.vector_store %arg13[%swap3A_55], %broadcast_in_dim3A_5 {strides = array<i32>} : memref<256xi32, #tpu.memory_space<vmem>>, vector<16xi32>,
    %swap3A_57 = arith.constant 48 : index
    %swap3A_58 = tpu.vector_load %arg10[%swap3A_57] {strides = array<i32>} : memref<256xi32, #tpu.memory_space<vmem>>, vector<16xi32>,
    tpu.vector_store %arg10[%swap3A_57], %broadcast_in_dim3A_3 {strides = array<i32>} : memref<256xi32, #tpu.memory_space<vmem>>, vector<16xi32>,
    %swap3A_59 = arith.constant 48 : index
    %swap3A_60 = tpu.vector_load %arg14[%swap3A_59] {strides = array<i32>} : memref<256xi32, #tpu.memory_space<vmem>>, vector<16xi32>,
    tpu.vector_store %arg14[%swap3A_59], %broadcast_in_dim3A_5 {strides = array<i32>} : memref<256xi32, #tpu.memory_space<vmem>>, vector<16xi32>,
    %swap3A_61 = arith.constant 48 : index
    %swap3A_62 = tpu.vector_load %arg11[%swap3A_61] {strides = array<i32>} : memref<256xi32, #tpu.memory_space<vmem>>, vector<16xi32>,
    tpu.vector_store %arg11[%swap3A_61], %broadcast_in_dim3A_3 {strides = array<i32>} : memref<256xi32, #tpu.memory_space<vmem>>, vector<16xi32>,
    %swap3A_63 = arith.constant 48 : index
    %swap3A_64 = tpu.vector_load %arg15[%swap3A_63] {strides = array<i32>} : memref<256xi32, #tpu.memory_space<vmem>>, vector<16xi32>,
    tpu.vector_store %arg15[%swap3A_63], %broadcast_in_dim3A_5 {strides = array<i32>} : memref<256xi32, #tpu.memory_space<vmem>>, vector<16xi32>,
    %swap3A_65 = arith.constant 48 : index
    %swap3A_66 = tpu.vector_load %arg12[%swap3A_65] {strides = array<i32>} : memref<256xi32, #tpu.memory_space<vmem>>, vector<16xi32>,
    tpu.vector_store %arg12[%swap3A_65], %broadcast_in_dim3A_3 {strides = array<i32>} : memref<256xi32, #tpu.memory_space<vmem>>, vector<16xi32>,
    %swap3A_67 = arith.constant 48 : index
    %swap3A_68 = tpu.vector_load %arg16[%swap3A_67] {strides = array<i32>} : memref<256xi32, #tpu.memory_space<vmem>>, vector<16xi32>,
    tpu.vector_store %arg16[%swap3A_67], %broadcast_in_dim3A_5 {strides = array<i32>} : memref<256xi32, #tpu.memory_space<vmem>>, vector<16xi32>,
    %swap3A_69 = arith.constant 64 : index
    %swap3A_70 = tpu.vector_load %arg9[%swap3A_69] {strides = array<i32>} : memref<256xi32, #tpu.memory_space<vmem>>, vector<16xi32>,
    tpu.vector_store %arg9[%swap3A_69], %broadcast_in_dim3A_3 {strides = array<i32>} : memref<256xi32, #tpu.memory_space<vmem>>, vector<16xi32>,
    %swap3A_71 = arith.constant 64 : index
    %swap3A_72 = tpu.vector_load %arg13[%swap3A_71] {strides = array<i32>} : memref<256xi32, #tpu.memory_space<vmem>>, vector<16xi32>,
    tpu.vector_store %arg13[%swap3A_71], %broadcast_in_dim3A_5 {strides = array<i32>} : memref<256xi32, #tpu.memory_space<vmem>>, vector<16xi32>,
    %swap3A_73 = arith.constant 64 : index
    %swap3A_74 = tpu.vector_load %arg10[%swap3A_73] {strides = array<i32>} : memref<256xi32, #tpu.memory_space<vmem>>, vector<16xi32>,
    tpu.vector_store %arg10[%swap3A_73], %broadcast_in_dim3A_3 {strides = array<i32>} : memref<256xi32, #tpu.memory_space<vmem>>, vector<16xi32>,
    %swap3A_75 = arith.constant 64 : index
    %swap3A_76 = tpu.vector_load %arg14[%swap3A_75] {strides = array<i32>} : memref<256xi32, #tpu.memory_space<vmem>>, vector<16xi32>,
    tpu.vector_store %arg14[%swap3A_75], %broadcast_in_dim3A_5 {strides = array<i32>} : memref<256xi32, #tpu.memory_space<vmem>>, vector<16xi32>,
    %swap3A_77 = arith.constant 64 : index
    %swap3A_78 = tpu.vector_load %arg11[%swap3A_77] {strides = array<i32>} : memref<256xi32, #tpu.memory_space<vmem>>, vector<16xi32>,
    tpu.vector_store %arg11[%swap3A_77], %broadcast_in_dim3A_3 {strides = array<i32>} : memref<256xi32, #tpu.memory_space<vmem>>, vector<16xi32>,
    %swap3A_79 = arith.constant 64 : index
    %swap3A_80 = tpu.vector_load %arg15[%swap3A_79] {strides = array<i32>} : memref<256xi32, #tpu.memory_space<vmem>>, vector<16xi32>,
    tpu.vector_store %arg15[%swap3A_79], %broadcast_in_dim3A_5 {strides = array<i32>} : memref<256xi32, #tpu.memory_space<vmem>>, vector<16xi32>,
    %swap3A_81 = arith.constant 64 : index
    %swap3A_82 = tpu.vector_load %arg12[%swap3A_81] {strides = array<i32>} : memref<256xi32, #tpu.memory_space<vmem>>, vector<16xi32>,
    tpu.vector_store %arg12[%swap3A_81], %broadcast_in_dim3A_3 {strides = array<i32>} : memref<256xi32, #tpu.memory_space<vmem>>, vector<16xi32>,
    %swap3A_83 = arith.constant 64 : index
    %swap3A_84 = tpu.vector_load %arg16[%swap3A_83] {strides = array<i32>} : memref<256xi32, #tpu.memory_space<vmem>>, vector<16xi32>,
    tpu.vector_store %arg16[%swap3A_83], %broadcast_in_dim3A_5 {strides = array<i32>} : memref<256xi32, #tpu.memory_space<vmem>>, vector<16xi32>,
    %swap3A_85 = arith.constant 80 : index
    %swap3A_86 = tpu.vector_load %arg9[%swap3A_85] {strides = array<i32>} : memref<256xi32, #tpu.memory_space<vmem>>, vector<16xi32>,
    tpu.vector_store %arg9[%swap3A_85], %broadcast_in_dim3A_3 {strides = array<i32>} : memref<256xi32, #tpu.memory_space<vmem>>, vector<16xi32>,
    %swap3A_87 = arith.constant 80 : index
    %swap3A_88 = tpu.vector_load %arg13[%swap3A_87] {strides = array<i32>} : memref<256xi32, #tpu.memory_space<vmem>>, vector<16xi32>,
    tpu.vector_store %arg13[%swap3A_87], %broadcast_in_dim3A_5 {strides = array<i32>} : memref<256xi32, #tpu.memory_space<vmem>>, vector<16xi32>,
    %swap3A_89 = arith.constant 80 : index
    %swap3A_90 = tpu.vector_load %arg10[%swap3A_89] {strides = array<i32>} : memref<256xi32, #tpu.memory_space<vmem>>, vector<16xi32>,
    tpu.vector_store %arg10[%swap3A_89], %broadcast_in_dim3A_3 {strides = array<i32>} : memref<256xi32, #tpu.memory_space<vmem>>, vector<16xi32>,
    %swap3A_91 = arith.constant 80 : index
    %swap3A_92 = tpu.vector_load %arg14[%swap3A_91] {strides = array<i32>} : memref<256xi32, #tpu.memory_space<vmem>>, vector<16xi32>,
    tpu.vector_store %arg14[%swap3A_91], %broadcast_in_dim3A_5 {strides = array<i32>} : memref<256xi32, #tpu.memory_space<vmem>>, vector<16xi32>,
    %swap3A_93 = arith.constant 80 : index
    %swap3A_94 = tpu.vector_load %arg11[%swap3A_93] {strides = array<i32>} : memref<256xi32, #tpu.memory_space<vmem>>, vector<16xi32>,
    tpu.vector_store %arg11[%swap3A_93], %broadcast_in_dim3A_3 {strides = array<i32>} : memref<256xi32, #tpu.memory_space<vmem>>, vector<16xi32>,
    %swap3A_95 = arith.constant 80 : index
    %swap3A_96 = tpu.vector_load %arg15[%swap3A_95] {strides = array<i32>} : memref<256xi32, #tpu.memory_space<vmem>>, vector<16xi32>,
    tpu.vector_store %arg15[%swap3A_95], %broadcast_in_dim3A_5 {strides = array<i32>} : memref<256xi32, #tpu.memory_space<vmem>>, vector<16xi32>,
    %swap3A_97 = arith.constant 80 : index
    %swap3A_98 = tpu.vector_load %arg12[%swap3A_97] {strides = array<i32>} : memref<256xi32, #tpu.memory_space<vmem>>, vector<16xi32>,
    tpu.vector_store %arg12[%swap3A_97], %broadcast_in_dim3A_3 {strides = array<i32>} : memref<256xi32, #tpu.memory_space<vmem>>, vector<16xi32>,
    %swap3A_99 = arith.constant 80 : index
    %swap3A_100 = tpu.vector_load %arg16[%swap3A_99] {strides = array<i32>} : memref<256xi32, #tpu.memory_space<vmem>>, vector<16xi32>,
    tpu.vector_store %arg16[%swap3A_99], %broadcast_in_dim3A_5 {strides = array<i32>} : memref<256xi32, #tpu.memory_space<vmem>>, vector<16xi32>,
    %swap3A_101 = arith.constant 96 : index
    %swap3A_102 = tpu.vector_load %arg9[%swap3A_101] {strides = array<i32>} : memref<256xi32, #tpu.memory_space<vmem>>, vector<16xi32>,
    tpu.vector_store %arg9[%swap3A_101], %broadcast_in_dim3A_3 {strides = array<i32>} : memref<256xi32, #tpu.memory_space<vmem>>, vector<16xi32>,
    %swap3A_103 = arith.constant 96 : index
    %swap3A_104 = tpu.vector_load %arg13[%swap3A_103] {strides = array<i32>} : memref<256xi32, #tpu.memory_space<vmem>>, vector<16xi32>,
    tpu.vector_store %arg13[%swap3A_103], %broadcast_in_dim3A_5 {strides = array<i32>} : memref<256xi32, #tpu.memory_space<vmem>>, vector<16xi32>,
    %swap3A_105 = arith.constant 96 : index
    %swap3A_106 = tpu.vector_load %arg10[%swap3A_105] {strides = array<i32>} : memref<256xi32, #tpu.memory_space<vmem>>, vector<16xi32>,
    tpu.vector_store %arg10[%swap3A_105], %broadcast_in_dim3A_3 {strides = array<i32>} : memref<256xi32, #tpu.memory_space<vmem>>, vector<16xi32>,
    %swap3A_107 = arith.constant 96 : index
    %swap3A_108 = tpu.vector_load %arg14[%swap3A_107] {strides = array<i32>} : memref<256xi32, #tpu.memory_space<vmem>>, vector<16xi32>,
    tpu.vector_store %arg14[%swap3A_107], %broadcast_in_dim3A_5 {strides = array<i32>} : memref<256xi32, #tpu.memory_space<vmem>>, vector<16xi32>,
    %swap3A_109 = arith.constant 96 : index
    %swap3A_110 = tpu.vector_load %arg11[%swap3A_109] {strides = array<i32>} : memref<256xi32, #tpu.memory_space<vmem>>, vector<16xi32>,
    tpu.vector_store %arg11[%swap3A_109], %broadcast_in_dim3A_3 {strides = array<i32>} : memref<256xi32, #tpu.memory_space<vmem>>, vector<16xi32>,
    %swap3A_111 = arith.constant 96 : index
    %swap3A_112 = tpu.vector_load %arg15[%swap3A_111] {strides = array<i32>} : memref<256xi32, #tpu.memory_space<vmem>>, vector<16xi32>,
    tpu.vector_store %arg15[%swap3A_111], %broadcast_in_dim3A_5 {strides = array<i32>} : memref<256xi32, #tpu.memory_space<vmem>>, vector<16xi32>,
    %swap3A_113 = arith.constant 96 : index
    %swap3A_114 = tpu.vector_load %arg12[%swap3A_113] {strides = array<i32>} : memref<256xi32, #tpu.memory_space<vmem>>, vector<16xi32>,
    tpu.vector_store %arg12[%swap3A_113], %broadcast_in_dim3A_3 {strides = array<i32>} : memref<256xi32, #tpu.memory_space<vmem>>, vector<16xi32>,
    %swap3A_115 = arith.constant 96 : index
    %swap3A_116 = tpu.vector_load %arg16[%swap3A_115] {strides = array<i32>} : memref<256xi32, #tpu.memory_space<vmem>>, vector<16xi32>,
    tpu.vector_store %arg16[%swap3A_115], %broadcast_in_dim3A_5 {strides = array<i32>} : memref<256xi32, #tpu.memory_space<vmem>>, vector<16xi32>,
    %swap3A_117 = arith.constant 112 : index
    %swap3A_118 = tpu.vector_load %arg9[%swap3A_117] {strides = array<i32>} : memref<256xi32, #tpu.memory_space<vmem>>, vector<16xi32>,
    tpu.vector_store %arg9[%swap3A_117], %broadcast_in_dim3A_3 {strides = array<i32>} : memref<256xi32, #tpu.memory_space<vmem>>, vector<16xi32>,
    %swap3A_119 = arith.constant 112 : index
    %swap3A_120 = tpu.vector_load %arg13[%swap3A_119] {strides = array<i32>} : memref<256xi32, #tpu.memory_space<vmem>>, vector<16xi32>,
    tpu.vector_store %arg13[%swap3A_119], %broadcast_in_dim3A_5 {strides = array<i32>} : memref<256xi32, #tpu.memory_space<vmem>>, vector<16xi32>,
    %swap3A_121 = arith.constant 112 : index
    %swap3A_122 = tpu.vector_load %arg10[%swap3A_121] {strides = array<i32>} : memref<256xi32, #tpu.memory_space<vmem>>, vector<16xi32>,
    tpu.vector_store %arg10[%swap3A_121], %broadcast_in_dim3A_3 {strides = array<i32>} : memref<256xi32, #tpu.memory_space<vmem>>, vector<16xi32>,
    %swap3A_123 = arith.constant 112 : index
    %swap3A_124 = tpu.vector_load %arg14[%swap3A_123] {strides = array<i32>} : memref<256xi32, #tpu.memory_space<vmem>>, vector<16xi32>,
    tpu.vector_store %arg14[%swap3A_123], %broadcast_in_dim3A_5 {strides = array<i32>} : memref<256xi32, #tpu.memory_space<vmem>>, vector<16xi32>,
    %swap3A_125 = arith.constant 112 : index
    %swap3A_126 = tpu.vector_load %arg11[%swap3A_125] {strides = array<i32>} : memref<256xi32, #tpu.memory_space<vmem>>, vector<16xi32>,
    tpu.vector_store %arg11[%swap3A_125], %broadcast_in_dim3A_3 {strides = array<i32>} : memref<256xi32, #tpu.memory_space<vmem>>, vector<16xi32>,
    %swap3A_127 = arith.constant 112 : index
    %swap3A_128 = tpu.vector_load %arg15[%swap3A_127] {strides = array<i32>} : memref<256xi32, #tpu.memory_space<vmem>>, vector<16xi32>,
    tpu.vector_store %arg15[%swap3A_127], %broadcast_in_dim3A_5 {strides = array<i32>} : memref<256xi32, #tpu.memory_space<vmem>>, vector<16xi32>,
    %swap3A_129 = arith.constant 112 : index
    %swap3A_130 = tpu.vector_load %arg12[%swap3A_129] {strides = array<i32>} : memref<256xi32, #tpu.memory_space<vmem>>, vector<16xi32>,
    tpu.vector_store %arg12[%swap3A_129], %broadcast_in_dim3A_3 {strides = array<i32>} : memref<256xi32, #tpu.memory_space<vmem>>, vector<16xi32>,
    %swap3A_131 = arith.constant 112 : index
    %swap3A_132 = tpu.vector_load %arg16[%swap3A_131] {strides = array<i32>} : memref<256xi32, #tpu.memory_space<vmem>>, vector<16xi32>,
    tpu.vector_store %arg16[%swap3A_131], %broadcast_in_dim3A_5 {strides = array<i32>} : memref<256xi32, #tpu.memory_space<vmem>>, vector<16xi32>,
    %swap3A_133 = arith.constant 128 : index
    %swap3A_134 = tpu.vector_load %arg9[%swap3A_133] {strides = array<i32>} : memref<256xi32, #tpu.memory_space<vmem>>, vector<16xi32>,
    tpu.vector_store %arg9[%swap3A_133], %broadcast_in_dim3A_3 {strides = array<i32>} : memref<256xi32, #tpu.memory_space<vmem>>, vector<16xi32>,
    %swap3A_135 = arith.constant 128 : index
    %swap3A_136 = tpu.vector_load %arg13[%swap3A_135] {strides = array<i32>} : memref<256xi32, #tpu.memory_space<vmem>>, vector<16xi32>,
    tpu.vector_store %arg13[%swap3A_135], %broadcast_in_dim3A_5 {strides = array<i32>} : memref<256xi32, #tpu.memory_space<vmem>>, vector<16xi32>,
    %swap3A_137 = arith.constant 128 : index
    %swap3A_138 = tpu.vector_load %arg10[%swap3A_137] {strides = array<i32>} : memref<256xi32, #tpu.memory_space<vmem>>, vector<16xi32>,
    tpu.vector_store %arg10[%swap3A_137], %broadcast_in_dim3A_3 {strides = array<i32>} : memref<256xi32, #tpu.memory_space<vmem>>, vector<16xi32>,
    %swap3A_139 = arith.constant 128 : index
    %swap3A_140 = tpu.vector_load %arg14[%swap3A_139] {strides = array<i32>} : memref<256xi32, #tpu.memory_space<vmem>>, vector<16xi32>,
    tpu.vector_store %arg14[%swap3A_139], %broadcast_in_dim3A_5 {strides = array<i32>} : memref<256xi32, #tpu.memory_space<vmem>>, vector<16xi32>,
    %swap3A_141 = arith.constant 128 : index
    %swap3A_142 = tpu.vector_load %arg11[%swap3A_141] {strides = array<i32>} : memref<256xi32, #tpu.memory_space<vmem>>, vector<16xi32>,
    tpu.vector_store %arg11[%swap3A_141], %broadcast_in_dim3A_3 {strides = array<i32>} : memref<256xi32, #tpu.memory_space<vmem>>, vector<16xi32>,
    %swap3A_143 = arith.constant 128 : index
    %swap3A_144 = tpu.vector_load %arg15[%swap3A_143] {strides = array<i32>} : memref<256xi32, #tpu.memory_space<vmem>>, vector<16xi32>,
    tpu.vector_store %arg15[%swap3A_143], %broadcast_in_dim3A_5 {strides = array<i32>} : memref<256xi32, #tpu.memory_space<vmem>>, vector<16xi32>,
    %swap3A_145 = arith.constant 128 : index
    %swap3A_146 = tpu.vector_load %arg12[%swap3A_145] {strides = array<i32>} : memref<256xi32, #tpu.memory_space<vmem>>, vector<16xi32>,
    tpu.vector_store %arg12[%swap3A_145], %broadcast_in_dim3A_3 {strides = array<i32>} : memref<256xi32, #tpu.memory_space<vmem>>, vector<16xi32>,
    %swap3A_147 = arith.constant 128 : index
    %swap3A_148 = tpu.vector_load %arg16[%swap3A_147] {strides = array<i32>} : memref<256xi32, #tpu.memory_space<vmem>>, vector<16xi32>,
    tpu.vector_store %arg16[%swap3A_147], %broadcast_in_dim3A_5 {strides = array<i32>} : memref<256xi32, #tpu.memory_space<vmem>>, vector<16xi32>,
    %swap3A_149 = arith.constant 144 : index
    %swap3A_150 = tpu.vector_load %arg9[%swap3A_149] {strides = array<i32>} : memref<256xi32, #tpu.memory_space<vmem>>, vector<16xi32>,
    tpu.vector_store %arg9[%swap3A_149], %broadcast_in_dim3A_3 {strides = array<i32>} : memref<256xi32, #tpu.memory_space<vmem>>, vector<16xi32>,
    %swap3A_151 = arith.constant 144 : index
    %swap3A_152 = tpu.vector_load %arg13[%swap3A_151] {strides = array<i32>} : memref<256xi32, #tpu.memory_space<vmem>>, vector<16xi32>,
    tpu.vector_store %arg13[%swap3A_151], %broadcast_in_dim3A_5 {strides = array<i32>} : memref<256xi32, #tpu.memory_space<vmem>>, vector<16xi32>,
    %swap3A_153 = arith.constant 144 : index
    %swap3A_154 = tpu.vector_load %arg10[%swap3A_153] {strides = array<i32>} : memref<256xi32, #tpu.memory_space<vmem>>, vector<16xi32>,
    tpu.vector_store %arg10[%swap3A_153], %broadcast_in_dim3A_3 {strides = array<i32>} : memref<256xi32, #tpu.memory_space<vmem>>, vector<16xi32>,
    %swap3A_155 = arith.constant 144 : index
    %swap3A_156 = tpu.vector_load %arg14[%swap3A_155] {strides = array<i32>} : memref<256xi32, #tpu.memory_space<vmem>>, vector<16xi32>,
    tpu.vector_store %arg14[%swap3A_155], %broadcast_in_dim3A_5 {strides = array<i32>} : memref<256xi32, #tpu.memory_space<vmem>>, vector<16xi32>,
    %swap3A_157 = arith.constant 144 : index
    %swap3A_158 = tpu.vector_load %arg11[%swap3A_157] {strides = array<i32>} : memref<256xi32, #tpu.memory_space<vmem>>, vector<16xi32>,
    tpu.vector_store %arg11[%swap3A_157], %broadcast_in_dim3A_3 {strides = array<i32>} : memref<256xi32, #tpu.memory_space<vmem>>, vector<16xi32>,
    %swap3A_159 = arith.constant 144 : index
    %swap3A_160 = tpu.vector_load %arg15[%swap3A_159] {strides = array<i32>} : memref<256xi32, #tpu.memory_space<vmem>>, vector<16xi32>,
    tpu.vector_store %arg15[%swap3A_159], %broadcast_in_dim3A_5 {strides = array<i32>} : memref<256xi32, #tpu.memory_space<vmem>>, vector<16xi32>,
    %swap3A_161 = arith.constant 144 : index
    %swap3A_162 = tpu.vector_load %arg12[%swap3A_161] {strides = array<i32>} : memref<256xi32, #tpu.memory_space<vmem>>, vector<16xi32>,
    tpu.vector_store %arg12[%swap3A_161], %broadcast_in_dim3A_3 {strides = array<i32>} : memref<256xi32, #tpu.memory_space<vmem>>, vector<16xi32>,
    %swap3A_163 = arith.constant 144 : index
    %swap3A_164 = tpu.vector_load %arg16[%swap3A_163] {strides = array<i32>} : memref<256xi32, #tpu.memory_space<vmem>>, vector<16xi32>,
    tpu.vector_store %arg16[%swap3A_163], %broadcast_in_dim3A_5 {strides = array<i32>} : memref<256xi32, #tpu.memory_space<vmem>>, vector<16xi32>,
    %swap3A_165 = arith.constant 160 : index
    %swap3A_166 = tpu.vector_load %arg9[%swap3A_165] {strides = array<i32>} : memref<256xi32, #tpu.memory_space<vmem>>, vector<16xi32>,
    tpu.vector_store %arg9[%swap3A_165], %broadcast_in_dim3A_3 {strides = array<i32>} : memref<256xi32, #tpu.memory_space<vmem>>, vector<16xi32>,
    %swap3A_167 = arith.constant 160 : index
    %swap3A_168 = tpu.vector_load %arg13[%swap3A_167] {strides = array<i32>} : memref<256xi32, #tpu.memory_space<vmem>>, vector<16xi32>,
    tpu.vector_store %arg13[%swap3A_167], %broadcast_in_dim3A_5 {strides = array<i32>} : memref<256xi32, #tpu.memory_space<vmem>>, vector<16xi32>,
    %swap3A_169 = arith.constant 160 : index
    %swap3A_170 = tpu.vector_load %arg10[%swap3A_169] {strides = array<i32>} : memref<256xi32, #tpu.memory_space<vmem>>, vector<16xi32>,
    tpu.vector_store %arg10[%swap3A_169], %broadcast_in_dim3A_3 {strides = array<i32>} : memref<256xi32, #tpu.memory_space<vmem>>, vector<16xi32>,
    %swap3A_171 = arith.constant 160 : index
    %swap3A_172 = tpu.vector_load %arg14[%swap3A_171] {strides = array<i32>} : memref<256xi32, #tpu.memory_space<vmem>>, vector<16xi32>,
    tpu.vector_store %arg14[%swap3A_171], %broadcast_in_dim3A_5 {strides = array<i32>} : memref<256xi32, #tpu.memory_space<vmem>>, vector<16xi32>,
    %swap3A_173 = arith.constant 160 : index
    %swap3A_174 = tpu.vector_load %arg11[%swap3A_173] {strides = array<i32>} : memref<256xi32, #tpu.memory_space<vmem>>, vector<16xi32>,
    tpu.vector_store %arg11[%swap3A_173], %broadcast_in_dim3A_3 {strides = array<i32>} : memref<256xi32, #tpu.memory_space<vmem>>, vector<16xi32>,
    %swap3A_175 = arith.constant 160 : index
    %swap3A_176 = tpu.vector_load %arg15[%swap3A_175] {strides = array<i32>} : memref<256xi32, #tpu.memory_space<vmem>>, vector<16xi32>,
    tpu.vector_store %arg15[%swap3A_175], %broadcast_in_dim3A_5 {strides = array<i32>} : memref<256xi32, #tpu.memory_space<vmem>>, vector<16xi32>,
    %swap3A_177 = arith.constant 160 : index
    %swap3A_178 = tpu.vector_load %arg12[%swap3A_177] {strides = array<i32>} : memref<256xi32, #tpu.memory_space<vmem>>, vector<16xi32>,
    tpu.vector_store %arg12[%swap3A_177], %broadcast_in_dim3A_3 {strides = array<i32>} : memref<256xi32, #tpu.memory_space<vmem>>, vector<16xi32>,
    %swap3A_179 = arith.constant 160 : index
    %swap3A_180 = tpu.vector_load %arg16[%swap3A_179] {strides = array<i32>} : memref<256xi32, #tpu.memory_space<vmem>>, vector<16xi32>,
    tpu.vector_store %arg16[%swap3A_179], %broadcast_in_dim3A_5 {strides = array<i32>} : memref<256xi32, #tpu.memory_space<vmem>>, vector<16xi32>,
    %swap3A_181 = arith.constant 176 : index
    %swap3A_182 = tpu.vector_load %arg9[%swap3A_181] {strides = array<i32>} : memref<256xi32, #tpu.memory_space<vmem>>, vector<16xi32>,
    tpu.vector_store %arg9[%swap3A_181], %broadcast_in_dim3A_3 {strides = array<i32>} : memref<256xi32, #tpu.memory_space<vmem>>, vector<16xi32>,
    %swap3A_183 = arith.constant 176 : index
    %swap3A_184 = tpu.vector_load %arg13[%swap3A_183] {strides = array<i32>} : memref<256xi32, #tpu.memory_space<vmem>>, vector<16xi32>,
    tpu.vector_store %arg13[%swap3A_183], %broadcast_in_dim3A_5 {strides = array<i32>} : memref<256xi32, #tpu.memory_space<vmem>>, vector<16xi32>,
    %swap3A_185 = arith.constant 176 : index
    %swap3A_186 = tpu.vector_load %arg10[%swap3A_185] {strides = array<i32>} : memref<256xi32, #tpu.memory_space<vmem>>, vector<16xi32>,
    tpu.vector_store %arg10[%swap3A_185], %broadcast_in_dim3A_3 {strides = array<i32>} : memref<256xi32, #tpu.memory_space<vmem>>, vector<16xi32>,
    %swap3A_187 = arith.constant 176 : index
    %swap3A_188 = tpu.vector_load %arg14[%swap3A_187] {strides = array<i32>} : memref<256xi32, #tpu.memory_space<vmem>>, vector<16xi32>,
    tpu.vector_store %arg14[%swap3A_187], %broadcast_in_dim3A_5 {strides = array<i32>} : memref<256xi32, #tpu.memory_space<vmem>>, vector<16xi32>,
    %swap3A_189 = arith.constant 176 : index
    %swap3A_190 = tpu.vector_load %arg11[%swap3A_189] {strides = array<i32>} : memref<256xi32, #tpu.memory_space<vmem>>, vector<16xi32>,
    tpu.vector_store %arg11[%swap3A_189], %broadcast_in_dim3A_3 {strides = array<i32>} : memref<256xi32, #tpu.memory_space<vmem>>, vector<16xi32>,
    %swap3A_191 = arith.constant 176 : index
    %swap3A_192 = tpu.vector_load %arg15[%swap3A_191] {strides = array<i32>} : memref<256xi32, #tpu.memory_space<vmem>>, vector<16xi32>,
    tpu.vector_store %arg15[%swap3A_191], %broadcast_in_dim3A_5 {strides = array<i32>} : memref<256xi32, #tpu.memory_space<vmem>>, vector<16xi32>,
    %swap3A_193 = arith.constant 176 : index
    %swap3A_194 = tpu.vector_load %arg12[%swap3A_193] {strides = array<i32>} : memref<256xi32, #tpu.memory_space<vmem>>, vector<16xi32>,
    tpu.vector_store %arg12[%swap3A_193], %broadcast_in_dim3A_3 {strides = array<i32>} : memref<256xi32, #tpu.memory_space<vmem>>, vector<16xi32>,
    %swap3A_195 = arith.constant 176 : index
    %swap3A_196 = tpu.vector_load %arg16[%swap3A_195] {strides = array<i32>} : memref<256xi32, #tpu.memory_space<vmem>>, vector<16xi32>,
    tpu.vector_store %arg16[%swap3A_195], %broadcast_in_dim3A_5 {strides = array<i32>} : memref<256xi32, #tpu.memory_space<vmem>>, vector<16xi32>,
    %swap3A_197 = arith.constant 192 : index
    %swap3A_198 = tpu.vector_load %arg9[%swap3A_197] {strides = array<i32>} : memref<256xi32, #tpu.memory_space<vmem>>, vector<16xi32>,
    tpu.vector_store %arg9[%swap3A_197], %broadcast_in_dim3A_3 {strides = array<i32>} : memref<256xi32, #tpu.memory_space<vmem>>, vector<16xi32>,
    %swap3A_199 = arith.constant 192 : index
    %swap3A_200 = tpu.vector_load %arg13[%swap3A_199] {strides = array<i32>} : memref<256xi32, #tpu.memory_space<vmem>>, vector<16xi32>,
    tpu.vector_store %arg13[%swap3A_199], %broadcast_in_dim3A_5 {strides = array<i32>} : memref<256xi32, #tpu.memory_space<vmem>>, vector<16xi32>,
    %swap3A_201 = arith.constant 192 : index
    %swap3A_202 = tpu.vector_load %arg10[%swap3A_201] {strides = array<i32>} : memref<256xi32, #tpu.memory_space<vmem>>, vector<16xi32>,
    tpu.vector_store %arg10[%swap3A_201], %broadcast_in_dim3A_3 {strides = array<i32>} : memref<256xi32, #tpu.memory_space<vmem>>, vector<16xi32>,
    %swap3A_203 = arith.constant 192 : index
    %swap3A_204 = tpu.vector_load %arg14[%swap3A_203] {strides = array<i32>} : memref<256xi32, #tpu.memory_space<vmem>>, vector<16xi32>,
    tpu.vector_store %arg14[%swap3A_203], %broadcast_in_dim3A_5 {strides = array<i32>} : memref<256xi32, #tpu.memory_space<vmem>>, vector<16xi32>,
    %swap3A_205 = arith.constant 192 : index
    %swap3A_206 = tpu.vector_load %arg11[%swap3A_205] {strides = array<i32>} : memref<256xi32, #tpu.memory_space<vmem>>, vector<16xi32>,
    tpu.vector_store %arg11[%swap3A_205], %broadcast_in_dim3A_3 {strides = array<i32>} : memref<256xi32, #tpu.memory_space<vmem>>, vector<16xi32>,
    %swap3A_207 = arith.constant 192 : index
    %swap3A_208 = tpu.vector_load %arg15[%swap3A_207] {strides = array<i32>} : memref<256xi32, #tpu.memory_space<vmem>>, vector<16xi32>,
    tpu.vector_store %arg15[%swap3A_207], %broadcast_in_dim3A_5 {strides = array<i32>} : memref<256xi32, #tpu.memory_space<vmem>>, vector<16xi32>,
    %swap3A_209 = arith.constant 192 : index
    %swap3A_210 = tpu.vector_load %arg12[%swap3A_209] {strides = array<i32>} : memref<256xi32, #tpu.memory_space<vmem>>, vector<16xi32>,
    tpu.vector_store %arg12[%swap3A_209], %broadcast_in_dim3A_3 {strides = array<i32>} : memref<256xi32, #tpu.memory_space<vmem>>, vector<16xi32>,
    %swap3A_211 = arith.constant 192 : index
    %swap3A_212 = tpu.vector_load %arg16[%swap3A_211] {strides = array<i32>} : memref<256xi32, #tpu.memory_space<vmem>>, vector<16xi32>,
    tpu.vector_store %arg16[%swap3A_211], %broadcast_in_dim3A_5 {strides = array<i32>} : memref<256xi32, #tpu.memory_space<vmem>>, vector<16xi32>,
    %swap3A_213 = arith.constant 208 : index
    %swap3A_214 = tpu.vector_load %arg9[%swap3A_213] {strides = array<i32>} : memref<256xi32, #tpu.memory_space<vmem>>, vector<16xi32>,
    tpu.vector_store %arg9[%swap3A_213], %broadcast_in_dim3A_3 {strides = array<i32>} : memref<256xi32, #tpu.memory_space<vmem>>, vector<16xi32>,
    %swap3A_215 = arith.constant 208 : index
    %swap3A_216 = tpu.vector_load %arg13[%swap3A_215] {strides = array<i32>} : memref<256xi32, #tpu.memory_space<vmem>>, vector<16xi32>,
    tpu.vector_store %arg13[%swap3A_215], %broadcast_in_dim3A_5 {strides = array<i32>} : memref<256xi32, #tpu.memory_space<vmem>>, vector<16xi32>,
    %swap3A_217 = arith.constant 208 : index
    %swap3A_218 = tpu.vector_load %arg10[%swap3A_217] {strides = array<i32>} : memref<256xi32, #tpu.memory_space<vmem>>, vector<16xi32>,
    tpu.vector_store %arg10[%swap3A_217], %broadcast_in_dim3A_3 {strides = array<i32>} : memref<256xi32, #tpu.memory_space<vmem>>, vector<16xi32>,
    %swap3A_219 = arith.constant 208 : index
    %swap3A_220 = tpu.vector_load %arg14[%swap3A_219] {strides = array<i32>} : memref<256xi32, #tpu.memory_space<vmem>>, vector<16xi32>,
    tpu.vector_store %arg14[%swap3A_219], %broadcast_in_dim3A_5 {strides = array<i32>} : memref<256xi32, #tpu.memory_space<vmem>>, vector<16xi32>,
    %swap3A_221 = arith.constant 208 : index
    %swap3A_222 = tpu.vector_load %arg11[%swap3A_221] {strides = array<i32>} : memref<256xi32, #tpu.memory_space<vmem>>, vector<16xi32>,
    tpu.vector_store %arg11[%swap3A_221], %broadcast_in_dim3A_3 {strides = array<i32>} : memref<256xi32, #tpu.memory_space<vmem>>, vector<16xi32>,
    %swap3A_223 = arith.constant 208 : index
    %swap3A_224 = tpu.vector_load %arg15[%swap3A_223] {strides = array<i32>} : memref<256xi32, #tpu.memory_space<vmem>>, vector<16xi32>,
    tpu.vector_store %arg15[%swap3A_223], %broadcast_in_dim3A_5 {strides = array<i32>} : memref<256xi32, #tpu.memory_space<vmem>>, vector<16xi32>,
    %swap3A_225 = arith.constant 208 : index
    %swap3A_226 = tpu.vector_load %arg12[%swap3A_225] {strides = array<i32>} : memref<256xi32, #tpu.memory_space<vmem>>, vector<16xi32>,
    tpu.vector_store %arg12[%swap3A_225], %broadcast_in_dim3A_3 {strides = array<i32>} : memref<256xi32, #tpu.memory_space<vmem>>, vector<16xi32>,
    %swap3A_227 = arith.constant 208 : index
    %swap3A_228 = tpu.vector_load %arg16[%swap3A_227] {strides = array<i32>} : memref<256xi32, #tpu.memory_space<vmem>>, vector<16xi32>,
    tpu.vector_store %arg16[%swap3A_227], %broadcast_in_dim3A_5 {strides = array<i32>} : memref<256xi32, #tpu.memory_space<vmem>>, vector<16xi32>,
    %swap3A_229 = arith.constant 224 : index
    %swap3A_230 = tpu.vector_load %arg9[%swap3A_229] {strides = array<i32>} : memref<256xi32, #tpu.memory_space<vmem>>, vector<16xi32>,
    tpu.vector_store %arg9[%swap3A_229], %broadcast_in_dim3A_3 {strides = array<i32>} : memref<256xi32, #tpu.memory_space<vmem>>, vector<16xi32>,
    %swap3A_231 = arith.constant 224 : index
    %swap3A_232 = tpu.vector_load %arg13[%swap3A_231] {strides = array<i32>} : memref<256xi32, #tpu.memory_space<vmem>>, vector<16xi32>,
    tpu.vector_store %arg13[%swap3A_231], %broadcast_in_dim3A_5 {strides = array<i32>} : memref<256xi32, #tpu.memory_space<vmem>>, vector<16xi32>,
    %swap3A_233 = arith.constant 224 : index
    %swap3A_234 = tpu.vector_load %arg10[%swap3A_233] {strides = array<i32>} : memref<256xi32, #tpu.memory_space<vmem>>, vector<16xi32>,
    tpu.vector_store %arg10[%swap3A_233], %broadcast_in_dim3A_3 {strides = array<i32>} : memref<256xi32, #tpu.memory_space<vmem>>, vector<16xi32>,
    %swap3A_235 = arith.constant 224 : index
    %swap3A_236 = tpu.vector_load %arg14[%swap3A_235] {strides = array<i32>} : memref<256xi32, #tpu.memory_space<vmem>>, vector<16xi32>,
    tpu.vector_store %arg14[%swap3A_235], %broadcast_in_dim3A_5 {strides = array<i32>} : memref<256xi32, #tpu.memory_space<vmem>>, vector<16xi32>,
    %swap3A_237 = arith.constant 224 : index
    %swap3A_238 = tpu.vector_load %arg11[%swap3A_237] {strides = array<i32>} : memref<256xi32, #tpu.memory_space<vmem>>, vector<16xi32>,
    tpu.vector_store %arg11[%swap3A_237], %broadcast_in_dim3A_3 {strides = array<i32>} : memref<256xi32, #tpu.memory_space<vmem>>, vector<16xi32>,
    %swap3A_239 = arith.constant 224 : index
    %swap3A_240 = tpu.vector_load %arg15[%swap3A_239] {strides = array<i32>} : memref<256xi32, #tpu.memory_space<vmem>>, vector<16xi32>,
    tpu.vector_store %arg15[%swap3A_239], %broadcast_in_dim3A_5 {strides = array<i32>} : memref<256xi32, #tpu.memory_space<vmem>>, vector<16xi32>,
    %swap3A_241 = arith.constant 224 : index
    %swap3A_242 = tpu.vector_load %arg12[%swap3A_241] {strides = array<i32>} : memref<256xi32, #tpu.memory_space<vmem>>, vector<16xi32>,
    tpu.vector_store %arg12[%swap3A_241], %broadcast_in_dim3A_3 {strides = array<i32>} : memref<256xi32, #tpu.memory_space<vmem>>, vector<16xi32>,
    %swap3A_243 = arith.constant 224 : index
    %swap3A_244 = tpu.vector_load %arg16[%swap3A_243] {strides = array<i32>} : memref<256xi32, #tpu.memory_space<vmem>>, vector<16xi32>,
    tpu.vector_store %arg16[%swap3A_243], %broadcast_in_dim3A_5 {strides = array<i32>} : memref<256xi32, #tpu.memory_space<vmem>>, vector<16xi32>,
    %swap3A_245 = arith.constant 240 : index
    %swap3A_246 = tpu.vector_load %arg9[%swap3A_245] {strides = array<i32>} : memref<256xi32, #tpu.memory_space<vmem>>, vector<16xi32>,
    tpu.vector_store %arg9[%swap3A_245], %broadcast_in_dim3A_3 {strides = array<i32>} : memref<256xi32, #tpu.memory_space<vmem>>, vector<16xi32>,
    %swap3A_247 = arith.constant 240 : index
    %swap3A_248 = tpu.vector_load %arg13[%swap3A_247] {strides = array<i32>} : memref<256xi32, #tpu.memory_space<vmem>>, vector<16xi32>,
    tpu.vector_store %arg13[%swap3A_247], %broadcast_in_dim3A_5 {strides = array<i32>} : memref<256xi32, #tpu.memory_space<vmem>>, vector<16xi32>,
    %swap3A_249 = arith.constant 240 : index
    %swap3A_250 = tpu.vector_load %arg10[%swap3A_249] {strides = array<i32>} : memref<256xi32, #tpu.memory_space<vmem>>, vector<16xi32>,
    tpu.vector_store %arg10[%swap3A_249], %broadcast_in_dim3A_3 {strides = array<i32>} : memref<256xi32, #tpu.memory_space<vmem>>, vector<16xi32>,
    %swap3A_251 = arith.constant 240 : index
    %swap3A_252 = tpu.vector_load %arg14[%swap3A_251] {strides = array<i32>} : memref<256xi32, #tpu.memory_space<vmem>>, vector<16xi32>,
    tpu.vector_store %arg14[%swap3A_251], %broadcast_in_dim3A_5 {strides = array<i32>} : memref<256xi32, #tpu.memory_space<vmem>>, vector<16xi32>,
    %swap3A_253 = arith.constant 240 : index
    %swap3A_254 = tpu.vector_load %arg11[%swap3A_253] {strides = array<i32>} : memref<256xi32, #tpu.memory_space<vmem>>, vector<16xi32>,
    tpu.vector_store %arg11[%swap3A_253], %broadcast_in_dim3A_3 {strides = array<i32>} : memref<256xi32, #tpu.memory_space<vmem>>, vector<16xi32>,
    %swap3A_255 = arith.constant 240 : index
    %swap3A_256 = tpu.vector_load %arg15[%swap3A_255] {strides = array<i32>} : memref<256xi32, #tpu.memory_space<vmem>>, vector<16xi32>,
    tpu.vector_store %arg15[%swap3A_255], %broadcast_in_dim3A_5 {strides = array<i32>} : memref<256xi32, #tpu.memory_space<vmem>>, vector<16xi32>,
    %swap3A_257 = arith.constant 240 : index
    %swap3A_258 = tpu.vector_load %arg12[%swap3A_257] {strides = array<i32>} : memref<256xi32, #tpu.memory_space<vmem>>, vector<16xi32>,
    tpu.vector_store %arg12[%swap3A_257], %broadcast_in_dim3A_3 {strides = array<i32>} : memref<256xi32, #tpu.memory_space<vmem>>, vector<16xi32>,
    %swap3A_259 = arith.constant 240 : index
    %swap3A_260 = tpu.vector_load %arg16[%swap3A_259] {strides = array<i32>} : memref<256xi32, #tpu.memory_space<vmem>>, vector<16xi32>,
    tpu.vector_store %arg16[%swap3A_259], %broadcast_in_dim3A_5 {strides = array<i32>} : memref<256xi32, #tpu.memory_space<vmem>>, vector<16xi32>,
    "tpu.trace_stop"() : () -> ()
    %iota3A = tpu.iota {dimensions = array<i32: 0>} : vector<16xi32>
    "tpu.trace_start"() <{level = 10 : i32, message = "sc_compact"}> : () -> ()
    %scan3A = arith.constant 0 : i32
    %scan3A_261 = arith.constant 0 : i32
    %scan3A_262 = arith.constant 0 : i32
    %scan3A_263 = arith.constant 0 : i32
    %scan3A_264 = arith.constant 0 : i32
    %scan3A_265 = arith.constant 16 : i32
    %scan3A_266 = arith.addi %scan3A_264, %scan3A_265 : i32
    %scan3A_267 = arith.constant 1 : i32
    %scan3A_268:4 = scf.for %scan3A_450 = %scan3A_264 to %scan3A_266 step %scan3A_267 iter_args(%scan3A_451 = %scan3A, %scan3A_452 = %scan3A_261, %scan3A_453 = %scan3A_262, %scan3A_454 = %scan3A_263) -> (i32, i32, i32, i32)  : i32 {
      %mul3A_455 = arith.constant 16 : i32
      %mul3A_456 = arith.muli %scan3A_450, %mul3A_455 : i32
      %get3A = arith.index_cast %mul3A_456 : i32 to index
      %get3A_457 = tpu.vector_load %arg8[%get3A] {strides = array<i32>} : memref<256xi32, #tpu.memory_space<vmem>>, vector<16xi32>,
      %mul3A_458 = arith.constant 16 : i32
      %mul3A_459 = arith.muli %scan3A_450, %mul3A_458 : i32
      %add3A_460 = arith.addi %mul3A_2, %mul3A_459 : i32
      %add3A_461 = vector.broadcast %add3A_460 : i32 to vector<16xi32>
      %add3A_462 = arith.addi %iota3A, %add3A_461 : vector<16xi32>
      %lt3A = arith.constant 20000 : i32
      %lt3A_463 = vector.broadcast %lt3A : i32 to vector<16xi32>
      %lt3A_464 = arith.cmpi slt, %get3A_457, %lt3A_463 : vector<16xi32>
      %ge3A = arith.constant 20000 : i32
      %ge3A_465 = vector.broadcast %ge3A : i32 to vector<16xi32>
      %ge3A_466 = arith.cmpi sge, %get3A_457, %ge3A_465 : vector<16xi32>
      %lt3A_467 = arith.constant 40000 : i32
      %lt3A_468 = vector.broadcast %lt3A_467 : i32 to vector<16xi32>
      %lt3A_469 = arith.cmpi slt, %get3A_457, %lt3A_468 : vector<16xi32>
      %and3A_470 = arith.andi %ge3A_466, %lt3A_469 : vector<16xi1>
      %ge3A_471 = arith.constant 40000 : i32
      %ge3A_472 = vector.broadcast %ge3A_471 : i32 to vector<16xi32>
      %ge3A_473 = arith.cmpi sge, %get3A_457, %ge3A_472 : vector<16xi32>
      %lt3A_474 = arith.constant 200000 : i32
      %lt3A_475 = vector.broadcast %lt3A_474 : i32 to vector<16xi32>
      %lt3A_476 = arith.cmpi slt, %get3A_457, %lt3A_475 : vector<16xi32>
      %and3A_477 = arith.andi %ge3A_473, %lt3A_476 : vector<16xi1>
      %ge3A_478 = arith.constant 200000 : i32
      %ge3A_479 = vector.broadcast %ge3A_478 : i32 to vector<16xi32>
      %ge3A_480 = arith.cmpi sge, %get3A_457, %ge3A_479 : vector<16xi32>
      %sub3A_481 = arith.constant 20000 : i32
      %sub3A_482 = vector.broadcast %sub3A_481 : i32 to vector<16xi32>
      %sub3A_483 = arith.subi %get3A_457, %sub3A_482 : vector<16xi32>
      %sub3A_484 = arith.constant 40000 : i32
      %sub3A_485 = vector.broadcast %sub3A_484 : i32 to vector<16xi32>
      %sub3A_486 = arith.subi %get3A_457, %sub3A_485 : vector<16xi32>
      %sub3A_487 = arith.constant 200000 : i32
      %sub3A_488 = vector.broadcast %sub3A_487 : i32 to vector<16xi32>
      %sub3A_489 = arith.subi %get3A_457, %sub3A_488 : vector<16xi32>
      %convert_element_type3A_490 = arith.extui %lt3A_464 : vector<16xi1> to vector<16xi32>
      %broadcast_in_dim3A_491 = arith.constant true
      %broadcast_in_dim3A_492 = vector.broadcast %broadcast_in_dim3A_491 : i1 to vector<16xi1>
      %masked_cumsum3A = tpu.scan <sum>, %convert_element_type3A_490 masked %broadcast_in_dim3A_492 : vector<16xi32>, vector<16xi1> -> vector<16xi32>
      %sub3A_493 = arith.subi %masked_cumsum3A, %convert_element_type3A_490 : vector<16xi32>
      %add3A_494 = vector.broadcast %scan3A_451 : i32 to vector<16xi32>
      %add3A_495 = arith.addi %sub3A_493, %add3A_494 : vector<16xi32>
      tpu.vector_store_idx %arg9[%add3A_495], %get3A_457 masked %lt3A_464 : memref<256xi32, #tpu.memory_space<vmem>>[vector<16xi32>], vector<16xi32>, vector<16xi1>
      tpu.vector_store_idx %arg13[%add3A_495], %add3A_462 masked %lt3A_464 : memref<256xi32, #tpu.memory_space<vmem>>[vector<16xi32>], vector<16xi32>, vector<16xi1>
      %reduce_sum3A = arith.constant true
      %reduce_sum3A_496 = vector.broadcast %reduce_sum3A : i1 to vector<16xi1>
      %reduce_sum3A_497 = tpu.scan <sum>, %convert_element_type3A_490 masked %reduce_sum3A_496 : vector<16xi32>, vector<16xi1> -> vector<16xi32>
      %reduce_sum3A_498 = vector.extract %reduce_sum3A_497[15] : i32 from vector<16xi32>
      %add3A_499 = arith.addi %scan3A_451, %reduce_sum3A_498 : i32
      %convert_element_type3A_500 = arith.extui %and3A_470 : vector<16xi1> to vector<16xi32>
      %broadcast_in_dim3A_501 = arith.constant true
      %broadcast_in_dim3A_502 = vector.broadcast %broadcast_in_dim3A_501 : i1 to vector<16xi1>
      %masked_cumsum3A_503 = tpu.scan <sum>, %convert_element_type3A_500 masked %broadcast_in_dim3A_502 : vector<16xi32>, vector<16xi1> -> vector<16xi32>
      %sub3A_504 = arith.subi %masked_cumsum3A_503, %convert_element_type3A_500 : vector<16xi32>
      %add3A_505 = vector.broadcast %scan3A_452 : i32 to vector<16xi32>
      %add3A_506 = arith.addi %sub3A_504, %add3A_505 : vector<16xi32>
      tpu.vector_store_idx %arg10[%add3A_506], %sub3A_483 masked %and3A_470 : memref<256xi32, #tpu.memory_space<vmem>>[vector<16xi32>], vector<16xi32>, vector<16xi1>
      tpu.vector_store_idx %arg14[%add3A_506], %add3A_462 masked %and3A_470 : memref<256xi32, #tpu.memory_space<vmem>>[vector<16xi32>], vector<16xi32>, vector<16xi1>
      %reduce_sum3A_507 = arith.constant true
      %reduce_sum3A_508 = vector.broadcast %reduce_sum3A_507 : i1 to vector<16xi1>
      %reduce_sum3A_509 = tpu.scan <sum>, %convert_element_type3A_500 masked %reduce_sum3A_508 : vector<16xi32>, vector<16xi1> -> vector<16xi32>
      %reduce_sum3A_510 = vector.extract %reduce_sum3A_509[15] : i32 from vector<16xi32>
      %add3A_511 = arith.addi %scan3A_452, %reduce_sum3A_510 : i32
      %convert_element_type3A_512 = arith.extui %and3A_477 : vector<16xi1> to vector<16xi32>
      %broadcast_in_dim3A_513 = arith.constant true
      %broadcast_in_dim3A_514 = vector.broadcast %broadcast_in_dim3A_513 : i1 to vector<16xi1>
      %masked_cumsum3A_515 = tpu.scan <sum>, %convert_element_type3A_512 masked %broadcast_in_dim3A_514 : vector<16xi32>, vector<16xi1> -> vector<16xi32>
      %sub3A_516 = arith.subi %masked_cumsum3A_515, %convert_element_type3A_512 : vector<16xi32>
      %add3A_517 = vector.broadcast %scan3A_453 : i32 to vector<16xi32>
      %add3A_518 = arith.addi %sub3A_516, %add3A_517 : vector<16xi32>
      tpu.vector_store_idx %arg11[%add3A_518], %sub3A_486 masked %and3A_477 : memref<256xi32, #tpu.memory_space<vmem>>[vector<16xi32>], vector<16xi32>, vector<16xi1>
      tpu.vector_store_idx %arg15[%add3A_518], %add3A_462 masked %and3A_477 : memref<256xi32, #tpu.memory_space<vmem>>[vector<16xi32>], vector<16xi32>, vector<16xi1>
      %reduce_sum3A_519 = arith.constant true
      %reduce_sum3A_520 = vector.broadcast %reduce_sum3A_519 : i1 to vector<16xi1>
      %reduce_sum3A_521 = tpu.scan <sum>, %convert_element_type3A_512 masked %reduce_sum3A_520 : vector<16xi32>, vector<16xi1> -> vector<16xi32>
      %reduce_sum3A_522 = vector.extract %reduce_sum3A_521[15] : i32 from vector<16xi32>
      %add3A_523 = arith.addi %scan3A_453, %reduce_sum3A_522 : i32
      %convert_element_type3A_524 = arith.extui %ge3A_480 : vector<16xi1> to vector<16xi32>
      %broadcast_in_dim3A_525 = arith.constant true
      %broadcast_in_dim3A_526 = vector.broadcast %broadcast_in_dim3A_525 : i1 to vector<16xi1>
      %masked_cumsum3A_527 = tpu.scan <sum>, %convert_element_type3A_524 masked %broadcast_in_dim3A_526 : vector<16xi32>, vector<16xi1> -> vector<16xi32>
      %sub3A_528 = arith.subi %masked_cumsum3A_527, %convert_element_type3A_524 : vector<16xi32>
      %add3A_529 = vector.broadcast %scan3A_454 : i32 to vector<16xi32>
      %add3A_530 = arith.addi %sub3A_528, %add3A_529 : vector<16xi32>
      tpu.vector_store_idx %arg12[%add3A_530], %sub3A_489 masked %ge3A_480 : memref<256xi32, #tpu.memory_space<vmem>>[vector<16xi32>], vector<16xi32>, vector<16xi1>
      tpu.vector_store_idx %arg16[%add3A_530], %add3A_462 masked %ge3A_480 : memref<256xi32, #tpu.memory_space<vmem>>[vector<16xi32>], vector<16xi32>, vector<16xi1>
      %reduce_sum3A_531 = arith.constant true
      %reduce_sum3A_532 = vector.broadcast %reduce_sum3A_531 : i1 to vector<16xi1>
      %reduce_sum3A_533 = tpu.scan <sum>, %convert_element_type3A_524 masked %reduce_sum3A_532 : vector<16xi32>, vector<16xi1> -> vector<16xi32>
      %reduce_sum3A_534 = vector.extract %reduce_sum3A_533[15] : i32 from vector<16xi32>
      %add3A_535 = arith.addi %scan3A_454, %reduce_sum3A_534 : i32
      scf.yield %add3A_499, %add3A_511, %add3A_523, %add3A_535 : i32, i32, i32, i32
    }
    %scan3A_269 = arith.constant 16 : i32
    "tpu.trace_stop"() : () -> ()
    %add3A_270 = arith.constant 15 : i32
    %add3A_271 = arith.addi %scan3A_268#0, %add3A_270 : i32
    %jit3A = arith.constant 16 : i32
    %div3A = arith.divsi %add3A_271, %jit3A : i32
    %sign3A = arith.constant 0 : i32
    %sign3A_272 = arith.cmpi sgt, %add3A_271, %sign3A : i32
    %sign3A_273 = arith.extui %sign3A_272 : i1 to i32
    %sign3A_274 = arith.constant 0 : i32
    %sign3A_275 = arith.cmpi slt, %add3A_271, %sign3A_274 : i32
    %sign3A_276 = arith.extui %sign3A_275 : i1 to i32
    %sign3A_277 = arith.subi %sign3A_273, %sign3A_276 : i32
    %sign3A_278 = arith.constant 0 : i32
    %sign3A_279 = arith.cmpi sgt, %jit3A, %sign3A_278 : i32
    %sign3A_280 = arith.extui %sign3A_279 : i1 to i32
    %sign3A_281 = arith.constant 0 : i32
    %sign3A_282 = arith.cmpi slt, %jit3A, %sign3A_281 : i32
    %sign3A_283 = arith.extui %sign3A_282 : i1 to i32
    %sign3A_284 = arith.subi %sign3A_280, %sign3A_283 : i32
    %ne3A = arith.cmpi ne, %sign3A_277, %sign3A_284 : i32
    %rem3A = arith.remsi %add3A_271, %jit3A : i32
    %ne3A_285 = arith.constant 0 : i32
    %ne3A_286 = arith.cmpi ne, %rem3A, %ne3A_285 : i32
    %and3A = arith.andi %ne3A, %ne3A_286 : i1
    %sub3A = arith.constant 1 : i32
    %sub3A_287 = arith.subi %div3A, %sub3A : i32
    %select_n3A = arith.select %and3A, %sub3A_287, %div3A : i32
    %gt3A = arith.constant 0 : i32
    "tpu.trace_start"() <{level = 10 : i32, message = "sc_dma_b0"}> : () -> ()
    %gt3A_288 = arith.cmpi sgt, %select_n3A, %gt3A : i32
    %convert_element_type3A = arith.extui %gt3A_288 : i1 to i32
    %cond3A = arith.constant 0 : i32
    %cond3A_289 = arith.cmpi ne, %convert_element_type3A, %cond3A : i32
    scf.if %cond3A_289 {
      %get3A = arith.constant 0 : index
      %get3A_450 = tpu.vector_load %arg9[%get3A] {strides = array<i32>} : memref<256xi32, #tpu.memory_space<vmem>>, vector<16xi32>,
      %rem3A_451 = arith.constant 0 : i32
      %rem3A_452 = arith.constant 2 : i32
      %rem3A_453 = arith.remsi %rem3A_451, %rem3A_452 : i32
      %mul3A_454 = arith.constant 16 : i32
      %mul3A_455 = arith.muli %rem3A_453, %mul3A_454 : i32
      %dma_start3A = arith.constant 0 : i32
      %dma_start3A_456 = tpu.memref_slice %arg17[%mul3A_455, %dma_start3A] : memref<32x1024xf32, #tpu.memory_space<vmem>> -> memref<16x1024xf32, #tpu.memory_space<vmem>>
      %dma_start3A_457 = arith.constant 0 : i32
      %dma_start3A_458 = arith.constant 0 : i32
      %dma_start3A_459 = tpu.memref_slice %arg3[%dma_start3A_457, %dma_start3A_458] : memref<20000x1024xf32, #tpu.memory_space<hbm>> -> memref<20000x1024xf32, #tpu.memory_space<hbm>>
      tpu.enqueue_indirect_dma source(%dma_start3A_459 : memref<20000x1024xf32, #tpu.memory_space<hbm>>) target(%dma_start3A_456 : memref<16x1024xf32, #tpu.memory_space<vmem>>) offsets(%get3A_450 : vector<16xi32>) semaphore(%arg21 : memref<!tpu.dma_semaphore, #tpu.memory_space<semaphore_mem>>)
    } else {
    }
    %while3A = arith.constant 0 : i32
    %while3A_290 = arith.constant 0 : i32
    %while3A_291 = arith.subi %select_n3A, %while3A : i32
    %while3A_292 = arith.addi %while3A, %while3A_291 : i32
    %while3A_293 = arith.constant 1 : i32
    %while3A_294 = arith.divsi %while3A_291, %while3A_293 : i32
    %while3A_295 = arith.muli %while3A_294, %while3A_293 : i32
    %while3A_296 = arith.addi %while3A, %while3A_295 : i32
    %while3A_297 = arith.constant 1 : i32
    %while3A_298 = scf.for %while3A_450 = %while3A to %while3A_296 step %while3A_297 iter_args(%while3A_451 = %while3A_290) -> (i32)  : i32 {
      %mul3A_452 = arith.constant 16 : i32
      %mul3A_453 = arith.muli %while3A_450, %mul3A_452 : i32
      %get3A = arith.index_cast %mul3A_453 : i32 to index
      %get3A_454 = tpu.vector_load %arg9[%get3A] {strides = array<i32>} : memref<256xi32, #tpu.memory_space<vmem>>, vector<16xi32>,
      %rem3A_455 = arith.constant 2 : i32
      %rem3A_456 = arith.remsi %while3A_450, %rem3A_455 : i32
      %mul3A_457 = arith.constant 16 : i32
      %mul3A_458 = arith.muli %rem3A_456, %mul3A_457 : i32
      %dma_wait3A = arith.constant 0 : i32
      %dma_wait3A_459 = tpu.memref_slice %arg17[%mul3A_458, %dma_wait3A] : memref<32x1024xf32, #tpu.memory_space<vmem>> -> memref<16x1024xf32, #tpu.memory_space<vmem>>
      %dma_wait3A_460 = arith.constant 0 : i32
      %dma_wait3A_461 = arith.constant 0 : i32
      %dma_wait3A_462 = tpu.memref_slice %arg3[%dma_wait3A_460, %dma_wait3A_461] : memref<20000x1024xf32, #tpu.memory_space<hbm>> -> memref<20000x1024xf32, #tpu.memory_space<hbm>>
      tpu.wait_indirect_dma semaphore(%arg21 : memref<!tpu.dma_semaphore, #tpu.memory_space<semaphore_mem>>) src(%dma_wait3A_462 : memref<20000x1024xf32, #tpu.memory_space<hbm>>) dst(%dma_wait3A_459 : memref<16x1024xf32, #tpu.memory_space<vmem>>)
      %ge3A = arith.constant 1 : i32
      %ge3A_463 = arith.cmpi sge, %while3A_450, %ge3A : i32
      %convert_element_type3A_464 = arith.extui %ge3A_463 : i1 to i32
      %cond3A_465 = arith.constant 0 : i32
      %cond3A_466 = arith.cmpi ne, %convert_element_type3A_464, %cond3A_465 : i32
      scf.if %cond3A_466 {
        %sub3A_485 = arith.constant 1 : i32
        %sub3A_486 = arith.subi %while3A_450, %sub3A_485 : i32
        %mul3A_487 = arith.constant 16 : i32
        %mul3A_488 = arith.muli %sub3A_486, %mul3A_487 : i32
        %get3A_489 = arith.index_cast %mul3A_488 : i32 to index
        %get3A_490 = tpu.vector_load %arg13[%get3A_489] {strides = array<i32>} : memref<256xi32, #tpu.memory_space<vmem>>, vector<16xi32>,
        %rem3A_491 = arith.constant 2 : i32
        %rem3A_492 = arith.remsi %sub3A_486, %rem3A_491 : i32
        %mul3A_493 = arith.constant 16 : i32
        %mul3A_494 = arith.muli %rem3A_492, %mul3A_493 : i32
        %dma_wait3A_495 = arith.constant 0 : i32
        %dma_wait3A_496 = tpu.memref_slice %arg17[%mul3A_494, %dma_wait3A_495] : memref<32x1024xf32, #tpu.memory_space<vmem>> -> memref<16x1024xf32, #tpu.memory_space<vmem>>
        %dma_wait3A_497 = arith.constant 0 : i32
        %dma_wait3A_498 = arith.constant 0 : i32
        %dma_wait3A_499 = tpu.memref_slice %arg7[%dma_wait3A_497, %dma_wait3A_498] : memref<8208x1024xf32, #tpu.memory_space<hbm>> -> memref<8208x1024xf32, #tpu.memory_space<hbm>>
        tpu.wait_indirect_dma semaphore(%arg22 : memref<!tpu.dma_semaphore, #tpu.memory_space<semaphore_mem>>) src(%dma_wait3A_496 : memref<16x1024xf32, #tpu.memory_space<vmem>>) dst(%dma_wait3A_499 : memref<8208x1024xf32, #tpu.memory_space<hbm>>)
      } else {
      }
      %add3A_467 = arith.constant 1 : i32
      %add3A_468 = arith.addi %while3A_450, %add3A_467 : i32
      %lt3A = arith.cmpi slt, %add3A_468, %select_n3A : i32
      %convert_element_type3A_469 = arith.extui %lt3A : i1 to i32
      %cond3A_470 = arith.constant 0 : i32
      %cond3A_471 = arith.cmpi ne, %convert_element_type3A_469, %cond3A_470 : i32
      scf.if %cond3A_471 {
        %add3A_485 = arith.constant 1 : i32
        %add3A_486 = arith.addi %while3A_450, %add3A_485 : i32
        %mul3A_487 = arith.constant 16 : i32
        %mul3A_488 = arith.muli %add3A_486, %mul3A_487 : i32
        %get3A_489 = arith.index_cast %mul3A_488 : i32 to index
        %get3A_490 = tpu.vector_load %arg9[%get3A_489] {strides = array<i32>} : memref<256xi32, #tpu.memory_space<vmem>>, vector<16xi32>,
        %rem3A_491 = arith.constant 2 : i32
        %rem3A_492 = arith.remsi %add3A_486, %rem3A_491 : i32
        %mul3A_493 = arith.constant 16 : i32
        %mul3A_494 = arith.muli %rem3A_492, %mul3A_493 : i32
        %dma_start3A_495 = arith.constant 0 : i32
        %dma_start3A_496 = tpu.memref_slice %arg17[%mul3A_494, %dma_start3A_495] : memref<32x1024xf32, #tpu.memory_space<vmem>> -> memref<16x1024xf32, #tpu.memory_space<vmem>>
        %dma_start3A_497 = arith.constant 0 : i32
        %dma_start3A_498 = arith.constant 0 : i32
        %dma_start3A_499 = tpu.memref_slice %arg3[%dma_start3A_497, %dma_start3A_498] : memref<20000x1024xf32, #tpu.memory_space<hbm>> -> memref<20000x1024xf32, #tpu.memory_space<hbm>>
        tpu.enqueue_indirect_dma source(%dma_start3A_499 : memref<20000x1024xf32, #tpu.memory_space<hbm>>) target(%dma_start3A_496 : memref<16x1024xf32, #tpu.memory_space<vmem>>) offsets(%get3A_490 : vector<16xi32>) semaphore(%arg21 : memref<!tpu.dma_semaphore, #tpu.memory_space<semaphore_mem>>)
      } else {
      }
      %mul3A_472 = arith.constant 16 : i32
      %mul3A_473 = arith.muli %while3A_450, %mul3A_472 : i32
      %get3A_474 = arith.index_cast %mul3A_473 : i32 to index
      %get3A_475 = tpu.vector_load %arg13[%get3A_474] {strides = array<i32>} : memref<256xi32, #tpu.memory_space<vmem>>, vector<16xi32>,
      %rem3A_476 = arith.constant 2 : i32
      %rem3A_477 = arith.remsi %while3A_450, %rem3A_476 : i32
      %mul3A_478 = arith.constant 16 : i32
      %mul3A_479 = arith.muli %rem3A_477, %mul3A_478 : i32
      %dma_start3A = arith.constant 0 : i32
      %dma_start3A_480 = tpu.memref_slice %arg17[%mul3A_479, %dma_start3A] : memref<32x1024xf32, #tpu.memory_space<vmem>> -> memref<16x1024xf32, #tpu.memory_space<vmem>>
      %dma_start3A_481 = arith.constant 0 : i32
      %dma_start3A_482 = arith.constant 0 : i32
      %dma_start3A_483 = tpu.memref_slice %arg7[%dma_start3A_481, %dma_start3A_482] : memref<8208x1024xf32, #tpu.memory_space<hbm>> -> memref<8208x1024xf32, #tpu.memory_space<hbm>>
      tpu.enqueue_indirect_dma source(%dma_start3A_480 : memref<16x1024xf32, #tpu.memory_space<vmem>>) target(%dma_start3A_483 : memref<8208x1024xf32, #tpu.memory_space<hbm>>) offsets(%get3A_475 : vector<16xi32>) semaphore(%arg22 : memref<!tpu.dma_semaphore, #tpu.memory_space<semaphore_mem>>)
      %while3A_484 = arith.constant 0 : i32
      scf.yield %while3A_484 : i32
    }
    %while3A_299 = arith.constant 1 : i32
    %while3A_300 = scf.for %while3A_450 = %while3A_296 to %while3A_292 step %while3A_299 iter_args(%while3A_451 = %while3A_298) -> (i32)  : i32 {
      %mul3A_452 = arith.constant 16 : i32
      %mul3A_453 = arith.muli %while3A_450, %mul3A_452 : i32
      %get3A = arith.index_cast %mul3A_453 : i32 to index
      %get3A_454 = tpu.vector_load %arg9[%get3A] {strides = array<i32>} : memref<256xi32, #tpu.memory_space<vmem>>, vector<16xi32>,
      %rem3A_455 = arith.constant 2 : i32
      %rem3A_456 = arith.remsi %while3A_450, %rem3A_455 : i32
      %mul3A_457 = arith.constant 16 : i32
      %mul3A_458 = arith.muli %rem3A_456, %mul3A_457 : i32
      %dma_wait3A = arith.constant 0 : i32
      %dma_wait3A_459 = tpu.memref_slice %arg17[%mul3A_458, %dma_wait3A] : memref<32x1024xf32, #tpu.memory_space<vmem>> -> memref<16x1024xf32, #tpu.memory_space<vmem>>
      %dma_wait3A_460 = arith.constant 0 : i32
      %dma_wait3A_461 = arith.constant 0 : i32
      %dma_wait3A_462 = tpu.memref_slice %arg3[%dma_wait3A_460, %dma_wait3A_461] : memref<20000x1024xf32, #tpu.memory_space<hbm>> -> memref<20000x1024xf32, #tpu.memory_space<hbm>>
      tpu.wait_indirect_dma semaphore(%arg21 : memref<!tpu.dma_semaphore, #tpu.memory_space<semaphore_mem>>) src(%dma_wait3A_462 : memref<20000x1024xf32, #tpu.memory_space<hbm>>) dst(%dma_wait3A_459 : memref<16x1024xf32, #tpu.memory_space<vmem>>)
      %ge3A = arith.constant 1 : i32
      %ge3A_463 = arith.cmpi sge, %while3A_450, %ge3A : i32
      %convert_element_type3A_464 = arith.extui %ge3A_463 : i1 to i32
      %cond3A_465 = arith.constant 0 : i32
      %cond3A_466 = arith.cmpi ne, %convert_element_type3A_464, %cond3A_465 : i32
      scf.if %cond3A_466 {
        %sub3A_485 = arith.constant 1 : i32
        %sub3A_486 = arith.subi %while3A_450, %sub3A_485 : i32
        %mul3A_487 = arith.constant 16 : i32
        %mul3A_488 = arith.muli %sub3A_486, %mul3A_487 : i32
        %get3A_489 = arith.index_cast %mul3A_488 : i32 to index
        %get3A_490 = tpu.vector_load %arg13[%get3A_489] {strides = array<i32>} : memref<256xi32, #tpu.memory_space<vmem>>, vector<16xi32>,
        %rem3A_491 = arith.constant 2 : i32
        %rem3A_492 = arith.remsi %sub3A_486, %rem3A_491 : i32
        %mul3A_493 = arith.constant 16 : i32
        %mul3A_494 = arith.muli %rem3A_492, %mul3A_493 : i32
        %dma_wait3A_495 = arith.constant 0 : i32
        %dma_wait3A_496 = tpu.memref_slice %arg17[%mul3A_494, %dma_wait3A_495] : memref<32x1024xf32, #tpu.memory_space<vmem>> -> memref<16x1024xf32, #tpu.memory_space<vmem>>
        %dma_wait3A_497 = arith.constant 0 : i32
        %dma_wait3A_498 = arith.constant 0 : i32
        %dma_wait3A_499 = tpu.memref_slice %arg7[%dma_wait3A_497, %dma_wait3A_498] : memref<8208x1024xf32, #tpu.memory_space<hbm>> -> memref<8208x1024xf32, #tpu.memory_space<hbm>>
        tpu.wait_indirect_dma semaphore(%arg22 : memref<!tpu.dma_semaphore, #tpu.memory_space<semaphore_mem>>) src(%dma_wait3A_496 : memref<16x1024xf32, #tpu.memory_space<vmem>>) dst(%dma_wait3A_499 : memref<8208x1024xf32, #tpu.memory_space<hbm>>)
      } else {
      }
      %add3A_467 = arith.constant 1 : i32
      %add3A_468 = arith.addi %while3A_450, %add3A_467 : i32
      %lt3A = arith.cmpi slt, %add3A_468, %select_n3A : i32
      %convert_element_type3A_469 = arith.extui %lt3A : i1 to i32
      %cond3A_470 = arith.constant 0 : i32
      %cond3A_471 = arith.cmpi ne, %convert_element_type3A_469, %cond3A_470 : i32
      scf.if %cond3A_471 {
        %add3A_485 = arith.constant 1 : i32
        %add3A_486 = arith.addi %while3A_450, %add3A_485 : i32
        %mul3A_487 = arith.constant 16 : i32
        %mul3A_488 = arith.muli %add3A_486, %mul3A_487 : i32
        %get3A_489 = arith.index_cast %mul3A_488 : i32 to index
        %get3A_490 = tpu.vector_load %arg9[%get3A_489] {strides = array<i32>} : memref<256xi32, #tpu.memory_space<vmem>>, vector<16xi32>,
        %rem3A_491 = arith.constant 2 : i32
        %rem3A_492 = arith.remsi %add3A_486, %rem3A_491 : i32
        %mul3A_493 = arith.constant 16 : i32
        %mul3A_494 = arith.muli %rem3A_492, %mul3A_493 : i32
        %dma_start3A_495 = arith.constant 0 : i32
        %dma_start3A_496 = tpu.memref_slice %arg17[%mul3A_494, %dma_start3A_495] : memref<32x1024xf32, #tpu.memory_space<vmem>> -> memref<16x1024xf32, #tpu.memory_space<vmem>>
        %dma_start3A_497 = arith.constant 0 : i32
        %dma_start3A_498 = arith.constant 0 : i32
        %dma_start3A_499 = tpu.memref_slice %arg3[%dma_start3A_497, %dma_start3A_498] : memref<20000x1024xf32, #tpu.memory_space<hbm>> -> memref<20000x1024xf32, #tpu.memory_space<hbm>>
        tpu.enqueue_indirect_dma source(%dma_start3A_499 : memref<20000x1024xf32, #tpu.memory_space<hbm>>) target(%dma_start3A_496 : memref<16x1024xf32, #tpu.memory_space<vmem>>) offsets(%get3A_490 : vector<16xi32>) semaphore(%arg21 : memref<!tpu.dma_semaphore, #tpu.memory_space<semaphore_mem>>)
      } else {
      }
      %mul3A_472 = arith.constant 16 : i32
      %mul3A_473 = arith.muli %while3A_450, %mul3A_472 : i32
      %get3A_474 = arith.index_cast %mul3A_473 : i32 to index
      %get3A_475 = tpu.vector_load %arg13[%get3A_474] {strides = array<i32>} : memref<256xi32, #tpu.memory_space<vmem>>, vector<16xi32>,
      %rem3A_476 = arith.constant 2 : i32
      %rem3A_477 = arith.remsi %while3A_450, %rem3A_476 : i32
      %mul3A_478 = arith.constant 16 : i32
      %mul3A_479 = arith.muli %rem3A_477, %mul3A_478 : i32
      %dma_start3A = arith.constant 0 : i32
      %dma_start3A_480 = tpu.memref_slice %arg17[%mul3A_479, %dma_start3A] : memref<32x1024xf32, #tpu.memory_space<vmem>> -> memref<16x1024xf32, #tpu.memory_space<vmem>>
      %dma_start3A_481 = arith.constant 0 : i32
      %dma_start3A_482 = arith.constant 0 : i32
      %dma_start3A_483 = tpu.memref_slice %arg7[%dma_start3A_481, %dma_start3A_482] : memref<8208x1024xf32, #tpu.memory_space<hbm>> -> memref<8208x1024xf32, #tpu.memory_space<hbm>>
      tpu.enqueue_indirect_dma source(%dma_start3A_480 : memref<16x1024xf32, #tpu.memory_space<vmem>>) target(%dma_start3A_483 : memref<8208x1024xf32, #tpu.memory_space<hbm>>) offsets(%get3A_475 : vector<16xi32>) semaphore(%arg22 : memref<!tpu.dma_semaphore, #tpu.memory_space<semaphore_mem>>)
      %while3A_484 = arith.constant 0 : i32
      scf.yield %while3A_484 : i32
    }
    %gt3A_301 = arith.constant 0 : i32
    %gt3A_302 = arith.cmpi sgt, %select_n3A, %gt3A_301 : i32
    %convert_element_type3A_303 = arith.extui %gt3A_302 : i1 to i32
    %cond3A_304 = arith.constant 0 : i32
    %cond3A_305 = arith.cmpi ne, %convert_element_type3A_303, %cond3A_304 : i32
    scf.if %cond3A_305 {
      %sub3A_450 = arith.constant 1 : i32
      %sub3A_451 = arith.subi %select_n3A, %sub3A_450 : i32
      %mul3A_452 = arith.constant 16 : i32
      %mul3A_453 = arith.muli %sub3A_451, %mul3A_452 : i32
      %get3A = arith.index_cast %mul3A_453 : i32 to index
      %get3A_454 = tpu.vector_load %arg13[%get3A] {strides = array<i32>} : memref<256xi32, #tpu.memory_space<vmem>>, vector<16xi32>,
      %rem3A_455 = arith.constant 2 : i32
      %rem3A_456 = arith.remsi %sub3A_451, %rem3A_455 : i32
      %mul3A_457 = arith.constant 16 : i32
      %mul3A_458 = arith.muli %rem3A_456, %mul3A_457 : i32
      %dma_wait3A = arith.constant 0 : i32
      %dma_wait3A_459 = tpu.memref_slice %arg17[%mul3A_458, %dma_wait3A] : memref<32x1024xf32, #tpu.memory_space<vmem>> -> memref<16x1024xf32, #tpu.memory_space<vmem>>
      %dma_wait3A_460 = arith.constant 0 : i32
      %dma_wait3A_461 = arith.constant 0 : i32
      %dma_wait3A_462 = tpu.memref_slice %arg7[%dma_wait3A_460, %dma_wait3A_461] : memref<8208x1024xf32, #tpu.memory_space<hbm>> -> memref<8208x1024xf32, #tpu.memory_space<hbm>>
      tpu.wait_indirect_dma semaphore(%arg22 : memref<!tpu.dma_semaphore, #tpu.memory_space<semaphore_mem>>) src(%dma_wait3A_459 : memref<16x1024xf32, #tpu.memory_space<vmem>>) dst(%dma_wait3A_462 : memref<8208x1024xf32, #tpu.memory_space<hbm>>)
    } else {
    }
    "tpu.trace_stop"() : () -> ()
    %add3A_306 = arith.constant 15 : i32
    %add3A_307 = arith.addi %scan3A_268#1, %add3A_306 : i32
    %jit3A_308 = arith.constant 16 : i32
    %div3A_309 = arith.divsi %add3A_307, %jit3A_308 : i32
    %sign3A_310 = arith.constant 0 : i32
    %sign3A_311 = arith.cmpi sgt, %add3A_307, %sign3A_310 : i32
    %sign3A_312 = arith.extui %sign3A_311 : i1 to i32
    %sign3A_313 = arith.constant 0 : i32
    %sign3A_314 = arith.cmpi slt, %add3A_307, %sign3A_313 : i32
    %sign3A_315 = arith.extui %sign3A_314 : i1 to i32
    %sign3A_316 = arith.subi %sign3A_312, %sign3A_315 : i32
    %sign3A_317 = arith.constant 0 : i32
    %sign3A_318 = arith.cmpi sgt, %jit3A_308, %sign3A_317 : i32
    %sign3A_319 = arith.extui %sign3A_318 : i1 to i32
    %sign3A_320 = arith.constant 0 : i32
    %sign3A_321 = arith.cmpi slt, %jit3A_308, %sign3A_320 : i32
    %sign3A_322 = arith.extui %sign3A_321 : i1 to i32
    %sign3A_323 = arith.subi %sign3A_319, %sign3A_322 : i32
    %ne3A_324 = arith.cmpi ne, %sign3A_316, %sign3A_323 : i32
    %rem3A_325 = arith.remsi %add3A_307, %jit3A_308 : i32
    %ne3A_326 = arith.constant 0 : i32
    %ne3A_327 = arith.cmpi ne, %rem3A_325, %ne3A_326 : i32
    %and3A_328 = arith.andi %ne3A_324, %ne3A_327 : i1
    %sub3A_329 = arith.constant 1 : i32
    %sub3A_330 = arith.subi %div3A_309, %sub3A_329 : i32
    %select_n3A_331 = arith.select %and3A_328, %sub3A_330, %div3A_309 : i32
    %gt3A_332 = arith.constant 0 : i32
    "tpu.trace_start"() <{level = 10 : i32, message = "sc_dma_b1"}> : () -> ()
    %gt3A_333 = arith.cmpi sgt, %select_n3A_331, %gt3A_332 : i32
    %convert_element_type3A_334 = arith.extui %gt3A_333 : i1 to i32
    %cond3A_335 = arith.constant 0 : i32
    %cond3A_336 = arith.cmpi ne, %convert_element_type3A_334, %cond3A_335 : i32
    scf.if %cond3A_336 {
      %get3A = arith.constant 0 : index
      %get3A_450 = tpu.vector_load %arg10[%get3A] {strides = array<i32>} : memref<256xi32, #tpu.memory_space<vmem>>, vector<16xi32>,
      %rem3A_451 = arith.constant 0 : i32
      %rem3A_452 = arith.constant 2 : i32
      %rem3A_453 = arith.remsi %rem3A_451, %rem3A_452 : i32
      %mul3A_454 = arith.constant 16 : i32
      %mul3A_455 = arith.muli %rem3A_453, %mul3A_454 : i32
      %dma_start3A = arith.constant 0 : i32
      %dma_start3A_456 = tpu.memref_slice %arg18[%mul3A_455, %dma_start3A] : memref<32x512xf32, #tpu.memory_space<vmem>> -> memref<16x512xf32, #tpu.memory_space<vmem>>
      %dma_start3A_457 = arith.constant 0 : i32
      %dma_start3A_458 = arith.constant 0 : i32
      %dma_start3A_459 = tpu.memref_slice %arg4[%dma_start3A_457, %dma_start3A_458] : memref<20000x512xf32, #tpu.memory_space<hbm>> -> memref<20000x512xf32, #tpu.memory_space<hbm>>
      tpu.enqueue_indirect_dma source(%dma_start3A_459 : memref<20000x512xf32, #tpu.memory_space<hbm>>) target(%dma_start3A_456 : memref<16x512xf32, #tpu.memory_space<vmem>>) offsets(%get3A_450 : vector<16xi32>) semaphore(%arg21 : memref<!tpu.dma_semaphore, #tpu.memory_space<semaphore_mem>>)
    } else {
    }
    %while3A_337 = arith.constant 0 : i32
    %while3A_338 = arith.constant 0 : i32
    %while3A_339 = arith.subi %select_n3A_331, %while3A_337 : i32
    %while3A_340 = arith.addi %while3A_337, %while3A_339 : i32
    %while3A_341 = arith.constant 1 : i32
    %while3A_342 = arith.divsi %while3A_339, %while3A_341 : i32
    %while3A_343 = arith.muli %while3A_342, %while3A_341 : i32
    %while3A_344 = arith.addi %while3A_337, %while3A_343 : i32
    %while3A_345 = arith.constant 1 : i32
    %while3A_346 = scf.for %while3A_450 = %while3A_337 to %while3A_344 step %while3A_345 iter_args(%while3A_451 = %while3A_338) -> (i32)  : i32 {
      %mul3A_452 = arith.constant 16 : i32
      %mul3A_453 = arith.muli %while3A_450, %mul3A_452 : i32
      %get3A = arith.index_cast %mul3A_453 : i32 to index
      %get3A_454 = tpu.vector_load %arg10[%get3A] {strides = array<i32>} : memref<256xi32, #tpu.memory_space<vmem>>, vector<16xi32>,
      %rem3A_455 = arith.constant 2 : i32
      %rem3A_456 = arith.remsi %while3A_450, %rem3A_455 : i32
      %mul3A_457 = arith.constant 16 : i32
      %mul3A_458 = arith.muli %rem3A_456, %mul3A_457 : i32
      %dma_wait3A = arith.constant 0 : i32
      %dma_wait3A_459 = tpu.memref_slice %arg18[%mul3A_458, %dma_wait3A] : memref<32x512xf32, #tpu.memory_space<vmem>> -> memref<16x512xf32, #tpu.memory_space<vmem>>
      %dma_wait3A_460 = arith.constant 0 : i32
      %dma_wait3A_461 = arith.constant 0 : i32
      %dma_wait3A_462 = tpu.memref_slice %arg4[%dma_wait3A_460, %dma_wait3A_461] : memref<20000x512xf32, #tpu.memory_space<hbm>> -> memref<20000x512xf32, #tpu.memory_space<hbm>>
      tpu.wait_indirect_dma semaphore(%arg21 : memref<!tpu.dma_semaphore, #tpu.memory_space<semaphore_mem>>) src(%dma_wait3A_462 : memref<20000x512xf32, #tpu.memory_space<hbm>>) dst(%dma_wait3A_459 : memref<16x512xf32, #tpu.memory_space<vmem>>)
      %ge3A = arith.constant 1 : i32
      %ge3A_463 = arith.cmpi sge, %while3A_450, %ge3A : i32
      %convert_element_type3A_464 = arith.extui %ge3A_463 : i1 to i32
      %cond3A_465 = arith.constant 0 : i32
      %cond3A_466 = arith.cmpi ne, %convert_element_type3A_464, %cond3A_465 : i32
      scf.if %cond3A_466 {
        %sub3A_485 = arith.constant 1 : i32
        %sub3A_486 = arith.subi %while3A_450, %sub3A_485 : i32
        %mul3A_487 = arith.constant 16 : i32
        %mul3A_488 = arith.muli %sub3A_486, %mul3A_487 : i32
        %get3A_489 = arith.index_cast %mul3A_488 : i32 to index
        %get3A_490 = tpu.vector_load %arg14[%get3A_489] {strides = array<i32>} : memref<256xi32, #tpu.memory_space<vmem>>, vector<16xi32>,
        %rem3A_491 = arith.constant 2 : i32
        %rem3A_492 = arith.remsi %sub3A_486, %rem3A_491 : i32
        %mul3A_493 = arith.constant 16 : i32
        %mul3A_494 = arith.muli %rem3A_492, %mul3A_493 : i32
        %dma_wait3A_495 = arith.constant 0 : i32
        %dma_wait3A_496 = tpu.memref_slice %arg18[%mul3A_494, %dma_wait3A_495] : memref<32x512xf32, #tpu.memory_space<vmem>> -> memref<16x512xf32, #tpu.memory_space<vmem>>
        %dma_wait3A_497 = arith.constant 0 : i32
        %dma_wait3A_498 = arith.constant 0 : i32
        %dma_wait3A_499 = tpu.memref_slice %arg7[%dma_wait3A_497, %dma_wait3A_498] : memref<8208x1024xf32, #tpu.memory_space<hbm>> -> memref<8208x512xf32, #tpu.memory_space<hbm>>
        tpu.wait_indirect_dma semaphore(%arg22 : memref<!tpu.dma_semaphore, #tpu.memory_space<semaphore_mem>>) src(%dma_wait3A_496 : memref<16x512xf32, #tpu.memory_space<vmem>>) dst(%dma_wait3A_499 : memref<8208x512xf32, #tpu.memory_space<hbm>>)
      } else {
      }
      %add3A_467 = arith.constant 1 : i32
      %add3A_468 = arith.addi %while3A_450, %add3A_467 : i32
      %lt3A = arith.cmpi slt, %add3A_468, %select_n3A_331 : i32
      %convert_element_type3A_469 = arith.extui %lt3A : i1 to i32
      %cond3A_470 = arith.constant 0 : i32
      %cond3A_471 = arith.cmpi ne, %convert_element_type3A_469, %cond3A_470 : i32
      scf.if %cond3A_471 {
        %add3A_485 = arith.constant 1 : i32
        %add3A_486 = arith.addi %while3A_450, %add3A_485 : i32
        %mul3A_487 = arith.constant 16 : i32
        %mul3A_488 = arith.muli %add3A_486, %mul3A_487 : i32
        %get3A_489 = arith.index_cast %mul3A_488 : i32 to index
        %get3A_490 = tpu.vector_load %arg10[%get3A_489] {strides = array<i32>} : memref<256xi32, #tpu.memory_space<vmem>>, vector<16xi32>,
        %rem3A_491 = arith.constant 2 : i32
        %rem3A_492 = arith.remsi %add3A_486, %rem3A_491 : i32
        %mul3A_493 = arith.constant 16 : i32
        %mul3A_494 = arith.muli %rem3A_492, %mul3A_493 : i32
        %dma_start3A_495 = arith.constant 0 : i32
        %dma_start3A_496 = tpu.memref_slice %arg18[%mul3A_494, %dma_start3A_495] : memref<32x512xf32, #tpu.memory_space<vmem>> -> memref<16x512xf32, #tpu.memory_space<vmem>>
        %dma_start3A_497 = arith.constant 0 : i32
        %dma_start3A_498 = arith.constant 0 : i32
        %dma_start3A_499 = tpu.memref_slice %arg4[%dma_start3A_497, %dma_start3A_498] : memref<20000x512xf32, #tpu.memory_space<hbm>> -> memref<20000x512xf32, #tpu.memory_space<hbm>>
        tpu.enqueue_indirect_dma source(%dma_start3A_499 : memref<20000x512xf32, #tpu.memory_space<hbm>>) target(%dma_start3A_496 : memref<16x512xf32, #tpu.memory_space<vmem>>) offsets(%get3A_490 : vector<16xi32>) semaphore(%arg21 : memref<!tpu.dma_semaphore, #tpu.memory_space<semaphore_mem>>)
      } else {
      }
      %mul3A_472 = arith.constant 16 : i32
      %mul3A_473 = arith.muli %while3A_450, %mul3A_472 : i32
      %get3A_474 = arith.index_cast %mul3A_473 : i32 to index
      %get3A_475 = tpu.vector_load %arg14[%get3A_474] {strides = array<i32>} : memref<256xi32, #tpu.memory_space<vmem>>, vector<16xi32>,
      %rem3A_476 = arith.constant 2 : i32
      %rem3A_477 = arith.remsi %while3A_450, %rem3A_476 : i32
      %mul3A_478 = arith.constant 16 : i32
      %mul3A_479 = arith.muli %rem3A_477, %mul3A_478 : i32
      %dma_start3A = arith.constant 0 : i32
      %dma_start3A_480 = tpu.memref_slice %arg18[%mul3A_479, %dma_start3A] : memref<32x512xf32, #tpu.memory_space<vmem>> -> memref<16x512xf32, #tpu.memory_space<vmem>>
      %dma_start3A_481 = arith.constant 0 : i32
      %dma_start3A_482 = arith.constant 0 : i32
      %dma_start3A_483 = tpu.memref_slice %arg7[%dma_start3A_481, %dma_start3A_482] : memref<8208x1024xf32, #tpu.memory_space<hbm>> -> memref<8208x512xf32, #tpu.memory_space<hbm>>
      tpu.enqueue_indirect_dma source(%dma_start3A_480 : memref<16x512xf32, #tpu.memory_space<vmem>>) target(%dma_start3A_483 : memref<8208x512xf32, #tpu.memory_space<hbm>>) offsets(%get3A_475 : vector<16xi32>) semaphore(%arg22 : memref<!tpu.dma_semaphore, #tpu.memory_space<semaphore_mem>>)
      %while3A_484 = arith.constant 0 : i32
      scf.yield %while3A_484 : i32
    }
    %while3A_347 = arith.constant 1 : i32
    %while3A_348 = scf.for %while3A_450 = %while3A_344 to %while3A_340 step %while3A_347 iter_args(%while3A_451 = %while3A_346) -> (i32)  : i32 {
      %mul3A_452 = arith.constant 16 : i32
      %mul3A_453 = arith.muli %while3A_450, %mul3A_452 : i32
      %get3A = arith.index_cast %mul3A_453 : i32 to index
      %get3A_454 = tpu.vector_load %arg10[%get3A] {strides = array<i32>} : memref<256xi32, #tpu.memory_space<vmem>>, vector<16xi32>,
      %rem3A_455 = arith.constant 2 : i32
      %rem3A_456 = arith.remsi %while3A_450, %rem3A_455 : i32
      %mul3A_457 = arith.constant 16 : i32
      %mul3A_458 = arith.muli %rem3A_456, %mul3A_457 : i32
      %dma_wait3A = arith.constant 0 : i32
      %dma_wait3A_459 = tpu.memref_slice %arg18[%mul3A_458, %dma_wait3A] : memref<32x512xf32, #tpu.memory_space<vmem>> -> memref<16x512xf32, #tpu.memory_space<vmem>>
      %dma_wait3A_460 = arith.constant 0 : i32
      %dma_wait3A_461 = arith.constant 0 : i32
      %dma_wait3A_462 = tpu.memref_slice %arg4[%dma_wait3A_460, %dma_wait3A_461] : memref<20000x512xf32, #tpu.memory_space<hbm>> -> memref<20000x512xf32, #tpu.memory_space<hbm>>
      tpu.wait_indirect_dma semaphore(%arg21 : memref<!tpu.dma_semaphore, #tpu.memory_space<semaphore_mem>>) src(%dma_wait3A_462 : memref<20000x512xf32, #tpu.memory_space<hbm>>) dst(%dma_wait3A_459 : memref<16x512xf32, #tpu.memory_space<vmem>>)
      %ge3A = arith.constant 1 : i32
      %ge3A_463 = arith.cmpi sge, %while3A_450, %ge3A : i32
      %convert_element_type3A_464 = arith.extui %ge3A_463 : i1 to i32
      %cond3A_465 = arith.constant 0 : i32
      %cond3A_466 = arith.cmpi ne, %convert_element_type3A_464, %cond3A_465 : i32
      scf.if %cond3A_466 {
        %sub3A_485 = arith.constant 1 : i32
        %sub3A_486 = arith.subi %while3A_450, %sub3A_485 : i32
        %mul3A_487 = arith.constant 16 : i32
        %mul3A_488 = arith.muli %sub3A_486, %mul3A_487 : i32
        %get3A_489 = arith.index_cast %mul3A_488 : i32 to index
        %get3A_490 = tpu.vector_load %arg14[%get3A_489] {strides = array<i32>} : memref<256xi32, #tpu.memory_space<vmem>>, vector<16xi32>,
        %rem3A_491 = arith.constant 2 : i32
        %rem3A_492 = arith.remsi %sub3A_486, %rem3A_491 : i32
        %mul3A_493 = arith.constant 16 : i32
        %mul3A_494 = arith.muli %rem3A_492, %mul3A_493 : i32
        %dma_wait3A_495 = arith.constant 0 : i32
        %dma_wait3A_496 = tpu.memref_slice %arg18[%mul3A_494, %dma_wait3A_495] : memref<32x512xf32, #tpu.memory_space<vmem>> -> memref<16x512xf32, #tpu.memory_space<vmem>>
        %dma_wait3A_497 = arith.constant 0 : i32
        %dma_wait3A_498 = arith.constant 0 : i32
        %dma_wait3A_499 = tpu.memref_slice %arg7[%dma_wait3A_497, %dma_wait3A_498] : memref<8208x1024xf32, #tpu.memory_space<hbm>> -> memref<8208x512xf32, #tpu.memory_space<hbm>>
        tpu.wait_indirect_dma semaphore(%arg22 : memref<!tpu.dma_semaphore, #tpu.memory_space<semaphore_mem>>) src(%dma_wait3A_496 : memref<16x512xf32, #tpu.memory_space<vmem>>) dst(%dma_wait3A_499 : memref<8208x512xf32, #tpu.memory_space<hbm>>)
      } else {
      }
      %add3A_467 = arith.constant 1 : i32
      %add3A_468 = arith.addi %while3A_450, %add3A_467 : i32
      %lt3A = arith.cmpi slt, %add3A_468, %select_n3A_331 : i32
      %convert_element_type3A_469 = arith.extui %lt3A : i1 to i32
      %cond3A_470 = arith.constant 0 : i32
      %cond3A_471 = arith.cmpi ne, %convert_element_type3A_469, %cond3A_470 : i32
      scf.if %cond3A_471 {
        %add3A_485 = arith.constant 1 : i32
        %add3A_486 = arith.addi %while3A_450, %add3A_485 : i32
        %mul3A_487 = arith.constant 16 : i32
        %mul3A_488 = arith.muli %add3A_486, %mul3A_487 : i32
        %get3A_489 = arith.index_cast %mul3A_488 : i32 to index
        %get3A_490 = tpu.vector_load %arg10[%get3A_489] {strides = array<i32>} : memref<256xi32, #tpu.memory_space<vmem>>, vector<16xi32>,
        %rem3A_491 = arith.constant 2 : i32
        %rem3A_492 = arith.remsi %add3A_486, %rem3A_491 : i32
        %mul3A_493 = arith.constant 16 : i32
        %mul3A_494 = arith.muli %rem3A_492, %mul3A_493 : i32
        %dma_start3A_495 = arith.constant 0 : i32
        %dma_start3A_496 = tpu.memref_slice %arg18[%mul3A_494, %dma_start3A_495] : memref<32x512xf32, #tpu.memory_space<vmem>> -> memref<16x512xf32, #tpu.memory_space<vmem>>
        %dma_start3A_497 = arith.constant 0 : i32
        %dma_start3A_498 = arith.constant 0 : i32
        %dma_start3A_499 = tpu.memref_slice %arg4[%dma_start3A_497, %dma_start3A_498] : memref<20000x512xf32, #tpu.memory_space<hbm>> -> memref<20000x512xf32, #tpu.memory_space<hbm>>
        tpu.enqueue_indirect_dma source(%dma_start3A_499 : memref<20000x512xf32, #tpu.memory_space<hbm>>) target(%dma_start3A_496 : memref<16x512xf32, #tpu.memory_space<vmem>>) offsets(%get3A_490 : vector<16xi32>) semaphore(%arg21 : memref<!tpu.dma_semaphore, #tpu.memory_space<semaphore_mem>>)
      } else {
      }
      %mul3A_472 = arith.constant 16 : i32
      %mul3A_473 = arith.muli %while3A_450, %mul3A_472 : i32
      %get3A_474 = arith.index_cast %mul3A_473 : i32 to index
      %get3A_475 = tpu.vector_load %arg14[%get3A_474] {strides = array<i32>} : memref<256xi32, #tpu.memory_space<vmem>>, vector<16xi32>,
      %rem3A_476 = arith.constant 2 : i32
      %rem3A_477 = arith.remsi %while3A_450, %rem3A_476 : i32
      %mul3A_478 = arith.constant 16 : i32
      %mul3A_479 = arith.muli %rem3A_477, %mul3A_478 : i32
      %dma_start3A = arith.constant 0 : i32
      %dma_start3A_480 = tpu.memref_slice %arg18[%mul3A_479, %dma_start3A] : memref<32x512xf32, #tpu.memory_space<vmem>> -> memref<16x512xf32, #tpu.memory_space<vmem>>
      %dma_start3A_481 = arith.constant 0 : i32
      %dma_start3A_482 = arith.constant 0 : i32
      %dma_start3A_483 = tpu.memref_slice %arg7[%dma_start3A_481, %dma_start3A_482] : memref<8208x1024xf32, #tpu.memory_space<hbm>> -> memref<8208x512xf32, #tpu.memory_space<hbm>>
      tpu.enqueue_indirect_dma source(%dma_start3A_480 : memref<16x512xf32, #tpu.memory_space<vmem>>) target(%dma_start3A_483 : memref<8208x512xf32, #tpu.memory_space<hbm>>) offsets(%get3A_475 : vector<16xi32>) semaphore(%arg22 : memref<!tpu.dma_semaphore, #tpu.memory_space<semaphore_mem>>)
      %while3A_484 = arith.constant 0 : i32
      scf.yield %while3A_484 : i32
    }
    %gt3A_349 = arith.constant 0 : i32
    %gt3A_350 = arith.cmpi sgt, %select_n3A_331, %gt3A_349 : i32
    %convert_element_type3A_351 = arith.extui %gt3A_350 : i1 to i32
    %cond3A_352 = arith.constant 0 : i32
    %cond3A_353 = arith.cmpi ne, %convert_element_type3A_351, %cond3A_352 : i32
    scf.if %cond3A_353 {
      %sub3A_450 = arith.constant 1 : i32
      %sub3A_451 = arith.subi %select_n3A_331, %sub3A_450 : i32
      %mul3A_452 = arith.constant 16 : i32
      %mul3A_453 = arith.muli %sub3A_451, %mul3A_452 : i32
      %get3A = arith.index_cast %mul3A_453 : i32 to index
      %get3A_454 = tpu.vector_load %arg14[%get3A] {strides = array<i32>} : memref<256xi32, #tpu.memory_space<vmem>>, vector<16xi32>,
      %rem3A_455 = arith.constant 2 : i32
      %rem3A_456 = arith.remsi %sub3A_451, %rem3A_455 : i32
      %mul3A_457 = arith.constant 16 : i32
      %mul3A_458 = arith.muli %rem3A_456, %mul3A_457 : i32
      %dma_wait3A = arith.constant 0 : i32
      %dma_wait3A_459 = tpu.memref_slice %arg18[%mul3A_458, %dma_wait3A] : memref<32x512xf32, #tpu.memory_space<vmem>> -> memref<16x512xf32, #tpu.memory_space<vmem>>
      %dma_wait3A_460 = arith.constant 0 : i32
      %dma_wait3A_461 = arith.constant 0 : i32
      %dma_wait3A_462 = tpu.memref_slice %arg7[%dma_wait3A_460, %dma_wait3A_461] : memref<8208x1024xf32, #tpu.memory_space<hbm>> -> memref<8208x512xf32, #tpu.memory_space<hbm>>
      tpu.wait_indirect_dma semaphore(%arg22 : memref<!tpu.dma_semaphore, #tpu.memory_space<semaphore_mem>>) src(%dma_wait3A_459 : memref<16x512xf32, #tpu.memory_space<vmem>>) dst(%dma_wait3A_462 : memref<8208x512xf32, #tpu.memory_space<hbm>>)
    } else {
    }
    "tpu.trace_stop"() : () -> ()
    %add3A_354 = arith.constant 15 : i32
    %add3A_355 = arith.addi %scan3A_268#2, %add3A_354 : i32
    %jit3A_356 = arith.constant 16 : i32
    %div3A_357 = arith.divsi %add3A_355, %jit3A_356 : i32
    %sign3A_358 = arith.constant 0 : i32
    %sign3A_359 = arith.cmpi sgt, %add3A_355, %sign3A_358 : i32
    %sign3A_360 = arith.extui %sign3A_359 : i1 to i32
    %sign3A_361 = arith.constant 0 : i32
    %sign3A_362 = arith.cmpi slt, %add3A_355, %sign3A_361 : i32
    %sign3A_363 = arith.extui %sign3A_362 : i1 to i32
    %sign3A_364 = arith.subi %sign3A_360, %sign3A_363 : i32
    %sign3A_365 = arith.constant 0 : i32
    %sign3A_366 = arith.cmpi sgt, %jit3A_356, %sign3A_365 : i32
    %sign3A_367 = arith.extui %sign3A_366 : i1 to i32
    %sign3A_368 = arith.constant 0 : i32
    %sign3A_369 = arith.cmpi slt, %jit3A_356, %sign3A_368 : i32
    %sign3A_370 = arith.extui %sign3A_369 : i1 to i32
    %sign3A_371 = arith.subi %sign3A_367, %sign3A_370 : i32
    %ne3A_372 = arith.cmpi ne, %sign3A_364, %sign3A_371 : i32
    %rem3A_373 = arith.remsi %add3A_355, %jit3A_356 : i32
    %ne3A_374 = arith.constant 0 : i32
    %ne3A_375 = arith.cmpi ne, %rem3A_373, %ne3A_374 : i32
    %and3A_376 = arith.andi %ne3A_372, %ne3A_375 : i1
    %sub3A_377 = arith.constant 1 : i32
    %sub3A_378 = arith.subi %div3A_357, %sub3A_377 : i32
    %select_n3A_379 = arith.select %and3A_376, %sub3A_378, %div3A_357 : i32
    %gt3A_380 = arith.constant 0 : i32
    "tpu.trace_start"() <{level = 10 : i32, message = "sc_dma_b2"}> : () -> ()
    %gt3A_381 = arith.cmpi sgt, %select_n3A_379, %gt3A_380 : i32
    %convert_element_type3A_382 = arith.extui %gt3A_381 : i1 to i32
    %cond3A_383 = arith.constant 0 : i32
    %cond3A_384 = arith.cmpi ne, %convert_element_type3A_382, %cond3A_383 : i32
    scf.if %cond3A_384 {
      %get3A = arith.constant 0 : index
      %get3A_450 = tpu.vector_load %arg11[%get3A] {strides = array<i32>} : memref<256xi32, #tpu.memory_space<vmem>>, vector<16xi32>,
      %rem3A_451 = arith.constant 0 : i32
      %rem3A_452 = arith.constant 2 : i32
      %rem3A_453 = arith.remsi %rem3A_451, %rem3A_452 : i32
      %mul3A_454 = arith.constant 16 : i32
      %mul3A_455 = arith.muli %rem3A_453, %mul3A_454 : i32
      %dma_start3A = arith.constant 0 : i32
      %dma_start3A_456 = tpu.memref_slice %arg19[%mul3A_455, %dma_start3A] : memref<32x256xf32, #tpu.memory_space<vmem>> -> memref<16x256xf32, #tpu.memory_space<vmem>>
      %dma_start3A_457 = arith.constant 0 : i32
      %dma_start3A_458 = arith.constant 0 : i32
      %dma_start3A_459 = tpu.memref_slice %arg5[%dma_start3A_457, %dma_start3A_458] : memref<160000x256xf32, #tpu.memory_space<hbm>> -> memref<160000x256xf32, #tpu.memory_space<hbm>>
      tpu.enqueue_indirect_dma source(%dma_start3A_459 : memref<160000x256xf32, #tpu.memory_space<hbm>>) target(%dma_start3A_456 : memref<16x256xf32, #tpu.memory_space<vmem>>) offsets(%get3A_450 : vector<16xi32>) semaphore(%arg21 : memref<!tpu.dma_semaphore, #tpu.memory_space<semaphore_mem>>)
    } else {
    }
    %while3A_385 = arith.constant 0 : i32
    %while3A_386 = arith.constant 0 : i32
    %while3A_387 = arith.subi %select_n3A_379, %while3A_385 : i32
    %while3A_388 = arith.addi %while3A_385, %while3A_387 : i32
    %while3A_389 = arith.constant 1 : i32
    %while3A_390 = arith.divsi %while3A_387, %while3A_389 : i32
    %while3A_391 = arith.muli %while3A_390, %while3A_389 : i32
    %while3A_392 = arith.addi %while3A_385, %while3A_391 : i32
    %while3A_393 = arith.constant 1 : i32
    %while3A_394 = scf.for %while3A_450 = %while3A_385 to %while3A_392 step %while3A_393 iter_args(%while3A_451 = %while3A_386) -> (i32)  : i32 {
      %mul3A_452 = arith.constant 16 : i32
      %mul3A_453 = arith.muli %while3A_450, %mul3A_452 : i32
      %get3A = arith.index_cast %mul3A_453 : i32 to index
      %get3A_454 = tpu.vector_load %arg11[%get3A] {strides = array<i32>} : memref<256xi32, #tpu.memory_space<vmem>>, vector<16xi32>,
      %rem3A_455 = arith.constant 2 : i32
      %rem3A_456 = arith.remsi %while3A_450, %rem3A_455 : i32
      %mul3A_457 = arith.constant 16 : i32
      %mul3A_458 = arith.muli %rem3A_456, %mul3A_457 : i32
      %dma_wait3A = arith.constant 0 : i32
      %dma_wait3A_459 = tpu.memref_slice %arg19[%mul3A_458, %dma_wait3A] : memref<32x256xf32, #tpu.memory_space<vmem>> -> memref<16x256xf32, #tpu.memory_space<vmem>>
      %dma_wait3A_460 = arith.constant 0 : i32
      %dma_wait3A_461 = arith.constant 0 : i32
      %dma_wait3A_462 = tpu.memref_slice %arg5[%dma_wait3A_460, %dma_wait3A_461] : memref<160000x256xf32, #tpu.memory_space<hbm>> -> memref<160000x256xf32, #tpu.memory_space<hbm>>
      tpu.wait_indirect_dma semaphore(%arg21 : memref<!tpu.dma_semaphore, #tpu.memory_space<semaphore_mem>>) src(%dma_wait3A_462 : memref<160000x256xf32, #tpu.memory_space<hbm>>) dst(%dma_wait3A_459 : memref<16x256xf32, #tpu.memory_space<vmem>>)
      %ge3A = arith.constant 1 : i32
      %ge3A_463 = arith.cmpi sge, %while3A_450, %ge3A : i32
      %convert_element_type3A_464 = arith.extui %ge3A_463 : i1 to i32
      %cond3A_465 = arith.constant 0 : i32
      %cond3A_466 = arith.cmpi ne, %convert_element_type3A_464, %cond3A_465 : i32
      scf.if %cond3A_466 {
        %sub3A_485 = arith.constant 1 : i32
        %sub3A_486 = arith.subi %while3A_450, %sub3A_485 : i32
        %mul3A_487 = arith.constant 16 : i32
        %mul3A_488 = arith.muli %sub3A_486, %mul3A_487 : i32
        %get3A_489 = arith.index_cast %mul3A_488 : i32 to index
        %get3A_490 = tpu.vector_load %arg15[%get3A_489] {strides = array<i32>} : memref<256xi32, #tpu.memory_space<vmem>>, vector<16xi32>,
        %rem3A_491 = arith.constant 2 : i32
        %rem3A_492 = arith.remsi %sub3A_486, %rem3A_491 : i32
        %mul3A_493 = arith.constant 16 : i32
        %mul3A_494 = arith.muli %rem3A_492, %mul3A_493 : i32
        %dma_wait3A_495 = arith.constant 0 : i32
        %dma_wait3A_496 = tpu.memref_slice %arg19[%mul3A_494, %dma_wait3A_495] : memref<32x256xf32, #tpu.memory_space<vmem>> -> memref<16x256xf32, #tpu.memory_space<vmem>>
        %dma_wait3A_497 = arith.constant 0 : i32
        %dma_wait3A_498 = arith.constant 0 : i32
        %dma_wait3A_499 = tpu.memref_slice %arg7[%dma_wait3A_497, %dma_wait3A_498] : memref<8208x1024xf32, #tpu.memory_space<hbm>> -> memref<8208x256xf32, #tpu.memory_space<hbm>>
        tpu.wait_indirect_dma semaphore(%arg22 : memref<!tpu.dma_semaphore, #tpu.memory_space<semaphore_mem>>) src(%dma_wait3A_496 : memref<16x256xf32, #tpu.memory_space<vmem>>) dst(%dma_wait3A_499 : memref<8208x256xf32, #tpu.memory_space<hbm>>)
      } else {
      }
      %add3A_467 = arith.constant 1 : i32
      %add3A_468 = arith.addi %while3A_450, %add3A_467 : i32
      %lt3A = arith.cmpi slt, %add3A_468, %select_n3A_379 : i32
      %convert_element_type3A_469 = arith.extui %lt3A : i1 to i32
      %cond3A_470 = arith.constant 0 : i32
      %cond3A_471 = arith.cmpi ne, %convert_element_type3A_469, %cond3A_470 : i32
      scf.if %cond3A_471 {
        %add3A_485 = arith.constant 1 : i32
        %add3A_486 = arith.addi %while3A_450, %add3A_485 : i32
        %mul3A_487 = arith.constant 16 : i32
        %mul3A_488 = arith.muli %add3A_486, %mul3A_487 : i32
        %get3A_489 = arith.index_cast %mul3A_488 : i32 to index
        %get3A_490 = tpu.vector_load %arg11[%get3A_489] {strides = array<i32>} : memref<256xi32, #tpu.memory_space<vmem>>, vector<16xi32>,
        %rem3A_491 = arith.constant 2 : i32
        %rem3A_492 = arith.remsi %add3A_486, %rem3A_491 : i32
        %mul3A_493 = arith.constant 16 : i32
        %mul3A_494 = arith.muli %rem3A_492, %mul3A_493 : i32
        %dma_start3A_495 = arith.constant 0 : i32
        %dma_start3A_496 = tpu.memref_slice %arg19[%mul3A_494, %dma_start3A_495] : memref<32x256xf32, #tpu.memory_space<vmem>> -> memref<16x256xf32, #tpu.memory_space<vmem>>
        %dma_start3A_497 = arith.constant 0 : i32
        %dma_start3A_498 = arith.constant 0 : i32
        %dma_start3A_499 = tpu.memref_slice %arg5[%dma_start3A_497, %dma_start3A_498] : memref<160000x256xf32, #tpu.memory_space<hbm>> -> memref<160000x256xf32, #tpu.memory_space<hbm>>
        tpu.enqueue_indirect_dma source(%dma_start3A_499 : memref<160000x256xf32, #tpu.memory_space<hbm>>) target(%dma_start3A_496 : memref<16x256xf32, #tpu.memory_space<vmem>>) offsets(%get3A_490 : vector<16xi32>) semaphore(%arg21 : memref<!tpu.dma_semaphore, #tpu.memory_space<semaphore_mem>>)
      } else {
      }
      %mul3A_472 = arith.constant 16 : i32
      %mul3A_473 = arith.muli %while3A_450, %mul3A_472 : i32
      %get3A_474 = arith.index_cast %mul3A_473 : i32 to index
      %get3A_475 = tpu.vector_load %arg15[%get3A_474] {strides = array<i32>} : memref<256xi32, #tpu.memory_space<vmem>>, vector<16xi32>,
      %rem3A_476 = arith.constant 2 : i32
      %rem3A_477 = arith.remsi %while3A_450, %rem3A_476 : i32
      %mul3A_478 = arith.constant 16 : i32
      %mul3A_479 = arith.muli %rem3A_477, %mul3A_478 : i32
      %dma_start3A = arith.constant 0 : i32
      %dma_start3A_480 = tpu.memref_slice %arg19[%mul3A_479, %dma_start3A] : memref<32x256xf32, #tpu.memory_space<vmem>> -> memref<16x256xf32, #tpu.memory_space<vmem>>
      %dma_start3A_481 = arith.constant 0 : i32
      %dma_start3A_482 = arith.constant 0 : i32
      %dma_start3A_483 = tpu.memref_slice %arg7[%dma_start3A_481, %dma_start3A_482] : memref<8208x1024xf32, #tpu.memory_space<hbm>> -> memref<8208x256xf32, #tpu.memory_space<hbm>>
      tpu.enqueue_indirect_dma source(%dma_start3A_480 : memref<16x256xf32, #tpu.memory_space<vmem>>) target(%dma_start3A_483 : memref<8208x256xf32, #tpu.memory_space<hbm>>) offsets(%get3A_475 : vector<16xi32>) semaphore(%arg22 : memref<!tpu.dma_semaphore, #tpu.memory_space<semaphore_mem>>)
      %while3A_484 = arith.constant 0 : i32
      scf.yield %while3A_484 : i32
    }
    %while3A_395 = arith.constant 1 : i32
    %while3A_396 = scf.for %while3A_450 = %while3A_392 to %while3A_388 step %while3A_395 iter_args(%while3A_451 = %while3A_394) -> (i32)  : i32 {
      %mul3A_452 = arith.constant 16 : i32
      %mul3A_453 = arith.muli %while3A_450, %mul3A_452 : i32
      %get3A = arith.index_cast %mul3A_453 : i32 to index
      %get3A_454 = tpu.vector_load %arg11[%get3A] {strides = array<i32>} : memref<256xi32, #tpu.memory_space<vmem>>, vector<16xi32>,
      %rem3A_455 = arith.constant 2 : i32
      %rem3A_456 = arith.remsi %while3A_450, %rem3A_455 : i32
      %mul3A_457 = arith.constant 16 : i32
      %mul3A_458 = arith.muli %rem3A_456, %mul3A_457 : i32
      %dma_wait3A = arith.constant 0 : i32
      %dma_wait3A_459 = tpu.memref_slice %arg19[%mul3A_458, %dma_wait3A] : memref<32x256xf32, #tpu.memory_space<vmem>> -> memref<16x256xf32, #tpu.memory_space<vmem>>
      %dma_wait3A_460 = arith.constant 0 : i32
      %dma_wait3A_461 = arith.constant 0 : i32
      %dma_wait3A_462 = tpu.memref_slice %arg5[%dma_wait3A_460, %dma_wait3A_461] : memref<160000x256xf32, #tpu.memory_space<hbm>> -> memref<160000x256xf32, #tpu.memory_space<hbm>>
      tpu.wait_indirect_dma semaphore(%arg21 : memref<!tpu.dma_semaphore, #tpu.memory_space<semaphore_mem>>) src(%dma_wait3A_462 : memref<160000x256xf32, #tpu.memory_space<hbm>>) dst(%dma_wait3A_459 : memref<16x256xf32, #tpu.memory_space<vmem>>)
      %ge3A = arith.constant 1 : i32
      %ge3A_463 = arith.cmpi sge, %while3A_450, %ge3A : i32
      %convert_element_type3A_464 = arith.extui %ge3A_463 : i1 to i32
      %cond3A_465 = arith.constant 0 : i32
      %cond3A_466 = arith.cmpi ne, %convert_element_type3A_464, %cond3A_465 : i32
      scf.if %cond3A_466 {
        %sub3A_485 = arith.constant 1 : i32
        %sub3A_486 = arith.subi %while3A_450, %sub3A_485 : i32
        %mul3A_487 = arith.constant 16 : i32
        %mul3A_488 = arith.muli %sub3A_486, %mul3A_487 : i32
        %get3A_489 = arith.index_cast %mul3A_488 : i32 to index
        %get3A_490 = tpu.vector_load %arg15[%get3A_489] {strides = array<i32>} : memref<256xi32, #tpu.memory_space<vmem>>, vector<16xi32>,
        %rem3A_491 = arith.constant 2 : i32
        %rem3A_492 = arith.remsi %sub3A_486, %rem3A_491 : i32
        %mul3A_493 = arith.constant 16 : i32
        %mul3A_494 = arith.muli %rem3A_492, %mul3A_493 : i32
        %dma_wait3A_495 = arith.constant 0 : i32
        %dma_wait3A_496 = tpu.memref_slice %arg19[%mul3A_494, %dma_wait3A_495] : memref<32x256xf32, #tpu.memory_space<vmem>> -> memref<16x256xf32, #tpu.memory_space<vmem>>
        %dma_wait3A_497 = arith.constant 0 : i32
        %dma_wait3A_498 = arith.constant 0 : i32
        %dma_wait3A_499 = tpu.memref_slice %arg7[%dma_wait3A_497, %dma_wait3A_498] : memref<8208x1024xf32, #tpu.memory_space<hbm>> -> memref<8208x256xf32, #tpu.memory_space<hbm>>
        tpu.wait_indirect_dma semaphore(%arg22 : memref<!tpu.dma_semaphore, #tpu.memory_space<semaphore_mem>>) src(%dma_wait3A_496 : memref<16x256xf32, #tpu.memory_space<vmem>>) dst(%dma_wait3A_499 : memref<8208x256xf32, #tpu.memory_space<hbm>>)
      } else {
      }
      %add3A_467 = arith.constant 1 : i32
      %add3A_468 = arith.addi %while3A_450, %add3A_467 : i32
      %lt3A = arith.cmpi slt, %add3A_468, %select_n3A_379 : i32
      %convert_element_type3A_469 = arith.extui %lt3A : i1 to i32
      %cond3A_470 = arith.constant 0 : i32
      %cond3A_471 = arith.cmpi ne, %convert_element_type3A_469, %cond3A_470 : i32
      scf.if %cond3A_471 {
        %add3A_485 = arith.constant 1 : i32
        %add3A_486 = arith.addi %while3A_450, %add3A_485 : i32
        %mul3A_487 = arith.constant 16 : i32
        %mul3A_488 = arith.muli %add3A_486, %mul3A_487 : i32
        %get3A_489 = arith.index_cast %mul3A_488 : i32 to index
        %get3A_490 = tpu.vector_load %arg11[%get3A_489] {strides = array<i32>} : memref<256xi32, #tpu.memory_space<vmem>>, vector<16xi32>,
        %rem3A_491 = arith.constant 2 : i32
        %rem3A_492 = arith.remsi %add3A_486, %rem3A_491 : i32
        %mul3A_493 = arith.constant 16 : i32
        %mul3A_494 = arith.muli %rem3A_492, %mul3A_493 : i32
        %dma_start3A_495 = arith.constant 0 : i32
        %dma_start3A_496 = tpu.memref_slice %arg19[%mul3A_494, %dma_start3A_495] : memref<32x256xf32, #tpu.memory_space<vmem>> -> memref<16x256xf32, #tpu.memory_space<vmem>>
        %dma_start3A_497 = arith.constant 0 : i32
        %dma_start3A_498 = arith.constant 0 : i32
        %dma_start3A_499 = tpu.memref_slice %arg5[%dma_start3A_497, %dma_start3A_498] : memref<160000x256xf32, #tpu.memory_space<hbm>> -> memref<160000x256xf32, #tpu.memory_space<hbm>>
        tpu.enqueue_indirect_dma source(%dma_start3A_499 : memref<160000x256xf32, #tpu.memory_space<hbm>>) target(%dma_start3A_496 : memref<16x256xf32, #tpu.memory_space<vmem>>) offsets(%get3A_490 : vector<16xi32>) semaphore(%arg21 : memref<!tpu.dma_semaphore, #tpu.memory_space<semaphore_mem>>)
      } else {
      }
      %mul3A_472 = arith.constant 16 : i32
      %mul3A_473 = arith.muli %while3A_450, %mul3A_472 : i32
      %get3A_474 = arith.index_cast %mul3A_473 : i32 to index
      %get3A_475 = tpu.vector_load %arg15[%get3A_474] {strides = array<i32>} : memref<256xi32, #tpu.memory_space<vmem>>, vector<16xi32>,
      %rem3A_476 = arith.constant 2 : i32
      %rem3A_477 = arith.remsi %while3A_450, %rem3A_476 : i32
      %mul3A_478 = arith.constant 16 : i32
      %mul3A_479 = arith.muli %rem3A_477, %mul3A_478 : i32
      %dma_start3A = arith.constant 0 : i32
      %dma_start3A_480 = tpu.memref_slice %arg19[%mul3A_479, %dma_start3A] : memref<32x256xf32, #tpu.memory_space<vmem>> -> memref<16x256xf32, #tpu.memory_space<vmem>>
      %dma_start3A_481 = arith.constant 0 : i32
      %dma_start3A_482 = arith.constant 0 : i32
      %dma_start3A_483 = tpu.memref_slice %arg7[%dma_start3A_481, %dma_start3A_482] : memref<8208x1024xf32, #tpu.memory_space<hbm>> -> memref<8208x256xf32, #tpu.memory_space<hbm>>
      tpu.enqueue_indirect_dma source(%dma_start3A_480 : memref<16x256xf32, #tpu.memory_space<vmem>>) target(%dma_start3A_483 : memref<8208x256xf32, #tpu.memory_space<hbm>>) offsets(%get3A_475 : vector<16xi32>) semaphore(%arg22 : memref<!tpu.dma_semaphore, #tpu.memory_space<semaphore_mem>>)
      %while3A_484 = arith.constant 0 : i32
      scf.yield %while3A_484 : i32
    }
    %gt3A_397 = arith.constant 0 : i32
    %gt3A_398 = arith.cmpi sgt, %select_n3A_379, %gt3A_397 : i32
    %convert_element_type3A_399 = arith.extui %gt3A_398 : i1 to i32
    %cond3A_400 = arith.constant 0 : i32
    %cond3A_401 = arith.cmpi ne, %convert_element_type3A_399, %cond3A_400 : i32
    scf.if %cond3A_401 {
      %sub3A_450 = arith.constant 1 : i32
      %sub3A_451 = arith.subi %select_n3A_379, %sub3A_450 : i32
      %mul3A_452 = arith.constant 16 : i32
      %mul3A_453 = arith.muli %sub3A_451, %mul3A_452 : i32
      %get3A = arith.index_cast %mul3A_453 : i32 to index
      %get3A_454 = tpu.vector_load %arg15[%get3A] {strides = array<i32>} : memref<256xi32, #tpu.memory_space<vmem>>, vector<16xi32>,
      %rem3A_455 = arith.constant 2 : i32
      %rem3A_456 = arith.remsi %sub3A_451, %rem3A_455 : i32
      %mul3A_457 = arith.constant 16 : i32
      %mul3A_458 = arith.muli %rem3A_456, %mul3A_457 : i32
      %dma_wait3A = arith.constant 0 : i32
      %dma_wait3A_459 = tpu.memref_slice %arg19[%mul3A_458, %dma_wait3A] : memref<32x256xf32, #tpu.memory_space<vmem>> -> memref<16x256xf32, #tpu.memory_space<vmem>>
      %dma_wait3A_460 = arith.constant 0 : i32
      %dma_wait3A_461 = arith.constant 0 : i32
      %dma_wait3A_462 = tpu.memref_slice %arg7[%dma_wait3A_460, %dma_wait3A_461] : memref<8208x1024xf32, #tpu.memory_space<hbm>> -> memref<8208x256xf32, #tpu.memory_space<hbm>>
      tpu.wait_indirect_dma semaphore(%arg22 : memref<!tpu.dma_semaphore, #tpu.memory_space<semaphore_mem>>) src(%dma_wait3A_459 : memref<16x256xf32, #tpu.memory_space<vmem>>) dst(%dma_wait3A_462 : memref<8208x256xf32, #tpu.memory_space<hbm>>)
    } else {
    }
    "tpu.trace_stop"() : () -> ()
    %add3A_402 = arith.constant 15 : i32
    %add3A_403 = arith.addi %scan3A_268#3, %add3A_402 : i32
    %jit3A_404 = arith.constant 16 : i32
    %div3A_405 = arith.divsi %add3A_403, %jit3A_404 : i32
    %sign3A_406 = arith.constant 0 : i32
    %sign3A_407 = arith.cmpi sgt, %add3A_403, %sign3A_406 : i32
    %sign3A_408 = arith.extui %sign3A_407 : i1 to i32
    %sign3A_409 = arith.constant 0 : i32
    %sign3A_410 = arith.cmpi slt, %add3A_403, %sign3A_409 : i32
    %sign3A_411 = arith.extui %sign3A_410 : i1 to i32
    %sign3A_412 = arith.subi %sign3A_408, %sign3A_411 : i32
    %sign3A_413 = arith.constant 0 : i32
    %sign3A_414 = arith.cmpi sgt, %jit3A_404, %sign3A_413 : i32
    %sign3A_415 = arith.extui %sign3A_414 : i1 to i32
    %sign3A_416 = arith.constant 0 : i32
    %sign3A_417 = arith.cmpi slt, %jit3A_404, %sign3A_416 : i32
    %sign3A_418 = arith.extui %sign3A_417 : i1 to i32
    %sign3A_419 = arith.subi %sign3A_415, %sign3A_418 : i32
    %ne3A_420 = arith.cmpi ne, %sign3A_412, %sign3A_419 : i32
    %rem3A_421 = arith.remsi %add3A_403, %jit3A_404 : i32
    %ne3A_422 = arith.constant 0 : i32
    %ne3A_423 = arith.cmpi ne, %rem3A_421, %ne3A_422 : i32
    %and3A_424 = arith.andi %ne3A_420, %ne3A_423 : i1
    %sub3A_425 = arith.constant 1 : i32
    %sub3A_426 = arith.subi %div3A_405, %sub3A_425 : i32
    %select_n3A_427 = arith.select %and3A_424, %sub3A_426, %div3A_405 : i32
    %gt3A_428 = arith.constant 0 : i32
    "tpu.trace_start"() <{level = 10 : i32, message = "sc_dma_b3"}> : () -> ()
    %gt3A_429 = arith.cmpi sgt, %select_n3A_427, %gt3A_428 : i32
    %convert_element_type3A_430 = arith.extui %gt3A_429 : i1 to i32
    %cond3A_431 = arith.constant 0 : i32
    %cond3A_432 = arith.cmpi ne, %convert_element_type3A_430, %cond3A_431 : i32
    scf.if %cond3A_432 {
      %get3A = arith.constant 0 : index
      %get3A_450 = tpu.vector_load %arg12[%get3A] {strides = array<i32>} : memref<256xi32, #tpu.memory_space<vmem>>, vector<16xi32>,
      %rem3A_451 = arith.constant 0 : i32
      %rem3A_452 = arith.constant 2 : i32
      %rem3A_453 = arith.remsi %rem3A_451, %rem3A_452 : i32
      %mul3A_454 = arith.constant 16 : i32
      %mul3A_455 = arith.muli %rem3A_453, %mul3A_454 : i32
      %dma_start3A = arith.constant 0 : i32
      %dma_start3A_456 = tpu.memref_slice %arg20[%mul3A_455, %dma_start3A] : memref<32x128xf32, #tpu.memory_space<vmem>> -> memref<16x128xf32, #tpu.memory_space<vmem>>
      %dma_start3A_457 = arith.constant 0 : i32
      %dma_start3A_458 = arith.constant 0 : i32
      %dma_start3A_459 = tpu.memref_slice %arg6[%dma_start3A_457, %dma_start3A_458] : memref<800000x128xf32, #tpu.memory_space<hbm>> -> memref<800000x128xf32, #tpu.memory_space<hbm>>
      tpu.enqueue_indirect_dma source(%dma_start3A_459 : memref<800000x128xf32, #tpu.memory_space<hbm>>) target(%dma_start3A_456 : memref<16x128xf32, #tpu.memory_space<vmem>>) offsets(%get3A_450 : vector<16xi32>) semaphore(%arg21 : memref<!tpu.dma_semaphore, #tpu.memory_space<semaphore_mem>>)
    } else {
    }
    %while3A_433 = arith.constant 0 : i32
    %while3A_434 = arith.constant 0 : i32
    %while3A_435 = arith.subi %select_n3A_427, %while3A_433 : i32
    %while3A_436 = arith.addi %while3A_433, %while3A_435 : i32
    %while3A_437 = arith.constant 1 : i32
    %while3A_438 = arith.divsi %while3A_435, %while3A_437 : i32
    %while3A_439 = arith.muli %while3A_438, %while3A_437 : i32
    %while3A_440 = arith.addi %while3A_433, %while3A_439 : i32
    %while3A_441 = arith.constant 1 : i32
    %while3A_442 = scf.for %while3A_450 = %while3A_433 to %while3A_440 step %while3A_441 iter_args(%while3A_451 = %while3A_434) -> (i32)  : i32 {
      %mul3A_452 = arith.constant 16 : i32
      %mul3A_453 = arith.muli %while3A_450, %mul3A_452 : i32
      %get3A = arith.index_cast %mul3A_453 : i32 to index
      %get3A_454 = tpu.vector_load %arg12[%get3A] {strides = array<i32>} : memref<256xi32, #tpu.memory_space<vmem>>, vector<16xi32>,
      %rem3A_455 = arith.constant 2 : i32
      %rem3A_456 = arith.remsi %while3A_450, %rem3A_455 : i32
      %mul3A_457 = arith.constant 16 : i32
      %mul3A_458 = arith.muli %rem3A_456, %mul3A_457 : i32
      %dma_wait3A = arith.constant 0 : i32
      %dma_wait3A_459 = tpu.memref_slice %arg20[%mul3A_458, %dma_wait3A] : memref<32x128xf32, #tpu.memory_space<vmem>> -> memref<16x128xf32, #tpu.memory_space<vmem>>
      %dma_wait3A_460 = arith.constant 0 : i32
      %dma_wait3A_461 = arith.constant 0 : i32
      %dma_wait3A_462 = tpu.memref_slice %arg6[%dma_wait3A_460, %dma_wait3A_461] : memref<800000x128xf32, #tpu.memory_space<hbm>> -> memref<800000x128xf32, #tpu.memory_space<hbm>>
      tpu.wait_indirect_dma semaphore(%arg21 : memref<!tpu.dma_semaphore, #tpu.memory_space<semaphore_mem>>) src(%dma_wait3A_462 : memref<800000x128xf32, #tpu.memory_space<hbm>>) dst(%dma_wait3A_459 : memref<16x128xf32, #tpu.memory_space<vmem>>)
      %ge3A = arith.constant 1 : i32
      %ge3A_463 = arith.cmpi sge, %while3A_450, %ge3A : i32
      %convert_element_type3A_464 = arith.extui %ge3A_463 : i1 to i32
      %cond3A_465 = arith.constant 0 : i32
      %cond3A_466 = arith.cmpi ne, %convert_element_type3A_464, %cond3A_465 : i32
      scf.if %cond3A_466 {
        %sub3A_485 = arith.constant 1 : i32
        %sub3A_486 = arith.subi %while3A_450, %sub3A_485 : i32
        %mul3A_487 = arith.constant 16 : i32
        %mul3A_488 = arith.muli %sub3A_486, %mul3A_487 : i32
        %get3A_489 = arith.index_cast %mul3A_488 : i32 to index
        %get3A_490 = tpu.vector_load %arg16[%get3A_489] {strides = array<i32>} : memref<256xi32, #tpu.memory_space<vmem>>, vector<16xi32>,
        %rem3A_491 = arith.constant 2 : i32
        %rem3A_492 = arith.remsi %sub3A_486, %rem3A_491 : i32
        %mul3A_493 = arith.constant 16 : i32
        %mul3A_494 = arith.muli %rem3A_492, %mul3A_493 : i32
        %dma_wait3A_495 = arith.constant 0 : i32
        %dma_wait3A_496 = tpu.memref_slice %arg20[%mul3A_494, %dma_wait3A_495] : memref<32x128xf32, #tpu.memory_space<vmem>> -> memref<16x128xf32, #tpu.memory_space<vmem>>
        %dma_wait3A_497 = arith.constant 0 : i32
        %dma_wait3A_498 = arith.constant 0 : i32
        %dma_wait3A_499 = tpu.memref_slice %arg7[%dma_wait3A_497, %dma_wait3A_498] : memref<8208x1024xf32, #tpu.memory_space<hbm>> -> memref<8208x128xf32, #tpu.memory_space<hbm>>
        tpu.wait_indirect_dma semaphore(%arg22 : memref<!tpu.dma_semaphore, #tpu.memory_space<semaphore_mem>>) src(%dma_wait3A_496 : memref<16x128xf32, #tpu.memory_space<vmem>>) dst(%dma_wait3A_499 : memref<8208x128xf32, #tpu.memory_space<hbm>>)
      } else {
      }
      %add3A_467 = arith.constant 1 : i32
      %add3A_468 = arith.addi %while3A_450, %add3A_467 : i32
      %lt3A = arith.cmpi slt, %add3A_468, %select_n3A_427 : i32
      %convert_element_type3A_469 = arith.extui %lt3A : i1 to i32
      %cond3A_470 = arith.constant 0 : i32
      %cond3A_471 = arith.cmpi ne, %convert_element_type3A_469, %cond3A_470 : i32
      scf.if %cond3A_471 {
        %add3A_485 = arith.constant 1 : i32
        %add3A_486 = arith.addi %while3A_450, %add3A_485 : i32
        %mul3A_487 = arith.constant 16 : i32
        %mul3A_488 = arith.muli %add3A_486, %mul3A_487 : i32
        %get3A_489 = arith.index_cast %mul3A_488 : i32 to index
        %get3A_490 = tpu.vector_load %arg12[%get3A_489] {strides = array<i32>} : memref<256xi32, #tpu.memory_space<vmem>>, vector<16xi32>,
        %rem3A_491 = arith.constant 2 : i32
        %rem3A_492 = arith.remsi %add3A_486, %rem3A_491 : i32
        %mul3A_493 = arith.constant 16 : i32
        %mul3A_494 = arith.muli %rem3A_492, %mul3A_493 : i32
        %dma_start3A_495 = arith.constant 0 : i32
        %dma_start3A_496 = tpu.memref_slice %arg20[%mul3A_494, %dma_start3A_495] : memref<32x128xf32, #tpu.memory_space<vmem>> -> memref<16x128xf32, #tpu.memory_space<vmem>>
        %dma_start3A_497 = arith.constant 0 : i32
        %dma_start3A_498 = arith.constant 0 : i32
        %dma_start3A_499 = tpu.memref_slice %arg6[%dma_start3A_497, %dma_start3A_498] : memref<800000x128xf32, #tpu.memory_space<hbm>> -> memref<800000x128xf32, #tpu.memory_space<hbm>>
        tpu.enqueue_indirect_dma source(%dma_start3A_499 : memref<800000x128xf32, #tpu.memory_space<hbm>>) target(%dma_start3A_496 : memref<16x128xf32, #tpu.memory_space<vmem>>) offsets(%get3A_490 : vector<16xi32>) semaphore(%arg21 : memref<!tpu.dma_semaphore, #tpu.memory_space<semaphore_mem>>)
      } else {
      }
      %mul3A_472 = arith.constant 16 : i32
      %mul3A_473 = arith.muli %while3A_450, %mul3A_472 : i32
      %get3A_474 = arith.index_cast %mul3A_473 : i32 to index
      %get3A_475 = tpu.vector_load %arg16[%get3A_474] {strides = array<i32>} : memref<256xi32, #tpu.memory_space<vmem>>, vector<16xi32>,
      %rem3A_476 = arith.constant 2 : i32
      %rem3A_477 = arith.remsi %while3A_450, %rem3A_476 : i32
      %mul3A_478 = arith.constant 16 : i32
      %mul3A_479 = arith.muli %rem3A_477, %mul3A_478 : i32
      %dma_start3A = arith.constant 0 : i32
      %dma_start3A_480 = tpu.memref_slice %arg20[%mul3A_479, %dma_start3A] : memref<32x128xf32, #tpu.memory_space<vmem>> -> memref<16x128xf32, #tpu.memory_space<vmem>>
      %dma_start3A_481 = arith.constant 0 : i32
      %dma_start3A_482 = arith.constant 0 : i32
      %dma_start3A_483 = tpu.memref_slice %arg7[%dma_start3A_481, %dma_start3A_482] : memref<8208x1024xf32, #tpu.memory_space<hbm>> -> memref<8208x128xf32, #tpu.memory_space<hbm>>
      tpu.enqueue_indirect_dma source(%dma_start3A_480 : memref<16x128xf32, #tpu.memory_space<vmem>>) target(%dma_start3A_483 : memref<8208x128xf32, #tpu.memory_space<hbm>>) offsets(%get3A_475 : vector<16xi32>) semaphore(%arg22 : memref<!tpu.dma_semaphore, #tpu.memory_space<semaphore_mem>>)
      %while3A_484 = arith.constant 0 : i32
      scf.yield %while3A_484 : i32
    }
    %while3A_443 = arith.constant 1 : i32
    %while3A_444 = scf.for %while3A_450 = %while3A_440 to %while3A_436 step %while3A_443 iter_args(%while3A_451 = %while3A_442) -> (i32)  : i32 {
      %mul3A_452 = arith.constant 16 : i32
      %mul3A_453 = arith.muli %while3A_450, %mul3A_452 : i32
      %get3A = arith.index_cast %mul3A_453 : i32 to index
      %get3A_454 = tpu.vector_load %arg12[%get3A] {strides = array<i32>} : memref<256xi32, #tpu.memory_space<vmem>>, vector<16xi32>,
      %rem3A_455 = arith.constant 2 : i32
      %rem3A_456 = arith.remsi %while3A_450, %rem3A_455 : i32
      %mul3A_457 = arith.constant 16 : i32
      %mul3A_458 = arith.muli %rem3A_456, %mul3A_457 : i32
      %dma_wait3A = arith.constant 0 : i32
      %dma_wait3A_459 = tpu.memref_slice %arg20[%mul3A_458, %dma_wait3A] : memref<32x128xf32, #tpu.memory_space<vmem>> -> memref<16x128xf32, #tpu.memory_space<vmem>>
      %dma_wait3A_460 = arith.constant 0 : i32
      %dma_wait3A_461 = arith.constant 0 : i32
      %dma_wait3A_462 = tpu.memref_slice %arg6[%dma_wait3A_460, %dma_wait3A_461] : memref<800000x128xf32, #tpu.memory_space<hbm>> -> memref<800000x128xf32, #tpu.memory_space<hbm>>
      tpu.wait_indirect_dma semaphore(%arg21 : memref<!tpu.dma_semaphore, #tpu.memory_space<semaphore_mem>>) src(%dma_wait3A_462 : memref<800000x128xf32, #tpu.memory_space<hbm>>) dst(%dma_wait3A_459 : memref<16x128xf32, #tpu.memory_space<vmem>>)
      %ge3A = arith.constant 1 : i32
      %ge3A_463 = arith.cmpi sge, %while3A_450, %ge3A : i32
      %convert_element_type3A_464 = arith.extui %ge3A_463 : i1 to i32
      %cond3A_465 = arith.constant 0 : i32
      %cond3A_466 = arith.cmpi ne, %convert_element_type3A_464, %cond3A_465 : i32
      scf.if %cond3A_466 {
        %sub3A_485 = arith.constant 1 : i32
        %sub3A_486 = arith.subi %while3A_450, %sub3A_485 : i32
        %mul3A_487 = arith.constant 16 : i32
        %mul3A_488 = arith.muli %sub3A_486, %mul3A_487 : i32
        %get3A_489 = arith.index_cast %mul3A_488 : i32 to index
        %get3A_490 = tpu.vector_load %arg16[%get3A_489] {strides = array<i32>} : memref<256xi32, #tpu.memory_space<vmem>>, vector<16xi32>,
        %rem3A_491 = arith.constant 2 : i32
        %rem3A_492 = arith.remsi %sub3A_486, %rem3A_491 : i32
        %mul3A_493 = arith.constant 16 : i32
        %mul3A_494 = arith.muli %rem3A_492, %mul3A_493 : i32
        %dma_wait3A_495 = arith.constant 0 : i32
        %dma_wait3A_496 = tpu.memref_slice %arg20[%mul3A_494, %dma_wait3A_495] : memref<32x128xf32, #tpu.memory_space<vmem>> -> memref<16x128xf32, #tpu.memory_space<vmem>>
        %dma_wait3A_497 = arith.constant 0 : i32
        %dma_wait3A_498 = arith.constant 0 : i32
        %dma_wait3A_499 = tpu.memref_slice %arg7[%dma_wait3A_497, %dma_wait3A_498] : memref<8208x1024xf32, #tpu.memory_space<hbm>> -> memref<8208x128xf32, #tpu.memory_space<hbm>>
        tpu.wait_indirect_dma semaphore(%arg22 : memref<!tpu.dma_semaphore, #tpu.memory_space<semaphore_mem>>) src(%dma_wait3A_496 : memref<16x128xf32, #tpu.memory_space<vmem>>) dst(%dma_wait3A_499 : memref<8208x128xf32, #tpu.memory_space<hbm>>)
      } else {
      }
      %add3A_467 = arith.constant 1 : i32
      %add3A_468 = arith.addi %while3A_450, %add3A_467 : i32
      %lt3A = arith.cmpi slt, %add3A_468, %select_n3A_427 : i32
      %convert_element_type3A_469 = arith.extui %lt3A : i1 to i32
      %cond3A_470 = arith.constant 0 : i32
      %cond3A_471 = arith.cmpi ne, %convert_element_type3A_469, %cond3A_470 : i32
      scf.if %cond3A_471 {
        %add3A_485 = arith.constant 1 : i32
        %add3A_486 = arith.addi %while3A_450, %add3A_485 : i32
        %mul3A_487 = arith.constant 16 : i32
        %mul3A_488 = arith.muli %add3A_486, %mul3A_487 : i32
        %get3A_489 = arith.index_cast %mul3A_488 : i32 to index
        %get3A_490 = tpu.vector_load %arg12[%get3A_489] {strides = array<i32>} : memref<256xi32, #tpu.memory_space<vmem>>, vector<16xi32>,
        %rem3A_491 = arith.constant 2 : i32
        %rem3A_492 = arith.remsi %add3A_486, %rem3A_491 : i32
        %mul3A_493 = arith.constant 16 : i32
        %mul3A_494 = arith.muli %rem3A_492, %mul3A_493 : i32
        %dma_start3A_495 = arith.constant 0 : i32
        %dma_start3A_496 = tpu.memref_slice %arg20[%mul3A_494, %dma_start3A_495] : memref<32x128xf32, #tpu.memory_space<vmem>> -> memref<16x128xf32, #tpu.memory_space<vmem>>
        %dma_start3A_497 = arith.constant 0 : i32
        %dma_start3A_498 = arith.constant 0 : i32
        %dma_start3A_499 = tpu.memref_slice %arg6[%dma_start3A_497, %dma_start3A_498] : memref<800000x128xf32, #tpu.memory_space<hbm>> -> memref<800000x128xf32, #tpu.memory_space<hbm>>
        tpu.enqueue_indirect_dma source(%dma_start3A_499 : memref<800000x128xf32, #tpu.memory_space<hbm>>) target(%dma_start3A_496 : memref<16x128xf32, #tpu.memory_space<vmem>>) offsets(%get3A_490 : vector<16xi32>) semaphore(%arg21 : memref<!tpu.dma_semaphore, #tpu.memory_space<semaphore_mem>>)
      } else {
      }
      %mul3A_472 = arith.constant 16 : i32
      %mul3A_473 = arith.muli %while3A_450, %mul3A_472 : i32
      %get3A_474 = arith.index_cast %mul3A_473 : i32 to index
      %get3A_475 = tpu.vector_load %arg16[%get3A_474] {strides = array<i32>} : memref<256xi32, #tpu.memory_space<vmem>>, vector<16xi32>,
      %rem3A_476 = arith.constant 2 : i32
      %rem3A_477 = arith.remsi %while3A_450, %rem3A_476 : i32
      %mul3A_478 = arith.constant 16 : i32
      %mul3A_479 = arith.muli %rem3A_477, %mul3A_478 : i32
      %dma_start3A = arith.constant 0 : i32
      %dma_start3A_480 = tpu.memref_slice %arg20[%mul3A_479, %dma_start3A] : memref<32x128xf32, #tpu.memory_space<vmem>> -> memref<16x128xf32, #tpu.memory_space<vmem>>
      %dma_start3A_481 = arith.constant 0 : i32
      %dma_start3A_482 = arith.constant 0 : i32
      %dma_start3A_483 = tpu.memref_slice %arg7[%dma_start3A_481, %dma_start3A_482] : memref<8208x1024xf32, #tpu.memory_space<hbm>> -> memref<8208x128xf32, #tpu.memory_space<hbm>>
      tpu.enqueue_indirect_dma source(%dma_start3A_480 : memref<16x128xf32, #tpu.memory_space<vmem>>) target(%dma_start3A_483 : memref<8208x128xf32, #tpu.memory_space<hbm>>) offsets(%get3A_475 : vector<16xi32>) semaphore(%arg22 : memref<!tpu.dma_semaphore, #tpu.memory_space<semaphore_mem>>)
      %while3A_484 = arith.constant 0 : i32
      scf.yield %while3A_484 : i32
    }
    %gt3A_445 = arith.constant 0 : i32
    %gt3A_446 = arith.cmpi sgt, %select_n3A_427, %gt3A_445 : i32
    %convert_element_type3A_447 = arith.extui %gt3A_446 : i1 to i32
    %cond3A_448 = arith.constant 0 : i32
    %cond3A_449 = arith.cmpi ne, %convert_element_type3A_447, %cond3A_448 : i32
    scf.if %cond3A_449 {
      %sub3A_450 = arith.constant 1 : i32
      %sub3A_451 = arith.subi %select_n3A_427, %sub3A_450 : i32
      %mul3A_452 = arith.constant 16 : i32
      %mul3A_453 = arith.muli %sub3A_451, %mul3A_452 : i32
      %get3A = arith.index_cast %mul3A_453 : i32 to index
      %get3A_454 = tpu.vector_load %arg16[%get3A] {strides = array<i32>} : memref<256xi32, #tpu.memory_space<vmem>>, vector<16xi32>,
      %rem3A_455 = arith.constant 2 : i32
      %rem3A_456 = arith.remsi %sub3A_451, %rem3A_455 : i32
      %mul3A_457 = arith.constant 16 : i32
      %mul3A_458 = arith.muli %rem3A_456, %mul3A_457 : i32
      %dma_wait3A = arith.constant 0 : i32
      %dma_wait3A_459 = tpu.memref_slice %arg20[%mul3A_458, %dma_wait3A] : memref<32x128xf32, #tpu.memory_space<vmem>> -> memref<16x128xf32, #tpu.memory_space<vmem>>
      %dma_wait3A_460 = arith.constant 0 : i32
      %dma_wait3A_461 = arith.constant 0 : i32
      %dma_wait3A_462 = tpu.memref_slice %arg7[%dma_wait3A_460, %dma_wait3A_461] : memref<8208x1024xf32, #tpu.memory_space<hbm>> -> memref<8208x128xf32, #tpu.memory_space<hbm>>
      tpu.wait_indirect_dma semaphore(%arg22 : memref<!tpu.dma_semaphore, #tpu.memory_space<semaphore_mem>>) src(%dma_wait3A_459 : memref<16x128xf32, #tpu.memory_space<vmem>>) dst(%dma_wait3A_462 : memref<8208x128xf32, #tpu.memory_space<hbm>>)
    } else {
    }
    "tpu.trace_stop"() : () -> ()
    return
  }
}

module attributes {stable_mosaic.version = 14 : i64} {
  func.func @_tc_body(%arg0: i32, %arg1: memref<1x1x512xi32, #tpu.memory_space<vmem>>, %arg2: memref<512x1024xf32, #tpu.memory_space<vmem>>, %arg3: memref<512x1024xf32, #tpu.memory_space<vmem>>, %arg4: memref<256x1024xf32, #tpu.memory_space<vmem>>, %arg5: memref<128x1024xf32, #tpu.memory_space<vmem>>, %arg6: memref<512x1024xf32, #tpu.memory_space<vmem>>) attributes {dimension_semantics = [#tpu.dimension_semantics<arbitrary>], iteration_bounds = array<i64: 16>, scalar_prefetch = 0 : i64, scratch_operands = 0 : i64, tpu.core_type = #tpu.core_type<tc>, window_params = [{transform_indices = @transform_0, window_bounds = array<i64: 1, 1, 512>}, {transform_indices = @transform_1, window_bounds = array<i64: 512, 1024>}, {pipeline_mode = #tpu.pipeline_mode<synchronous>, transform_indices = @transform_2, window_bounds = array<i64: 512, 1024>}, {pipeline_mode = #tpu.pipeline_mode<synchronous>, transform_indices = @transform_3, window_bounds = array<i64: 256, 1024>}, {pipeline_mode = #tpu.pipeline_mode<synchronous>, transform_indices = @transform_4, window_bounds = array<i64: 128, 1024>}, {transform_indices = @transform_5, window_bounds = array<i64: 512, 1024>}]} {
    %get3A = arith.constant 0 : index
    %get3A_0 = arith.constant 0 : index
    %get3A_1 = arith.constant 0 : index
    %get3A_2 = vector.load %arg1[%get3A, %get3A_0, %get3A_1] : memref<1x1x512xi32, #tpu.memory_space<vmem>>, vector<1x1x512xi32>
    %get3A_3 = vector.shape_cast %get3A_2 : vector<1x1x512xi32> to vector<512xi32>
    %broadcast_in_dim3A = vector.shape_cast %get3A_3 : vector<512xi32> to vector<512x1xi32>
    %get3A_4 = arith.constant 0 : index
    %get3A_5 = arith.constant 0 : index
    %get3A_6 = vector.load %arg2[%get3A_4, %get3A_5] : memref<512x1024xf32, #tpu.memory_space<vmem>>, vector<512x1024xf32>
    %lt3A = arith.constant 20000 : i32
    %lt3A_7 = vector.broadcast %lt3A : i32 to vector<512x1xi32>
    %lt3A_8 = arith.cmpi slt, %broadcast_in_dim3A, %lt3A_7 : vector<512x1xi32>
    %jit3A = arith.constant 0.000000e+00 : f32
    %broadcast_in_dim3A_9 = vector.shape_cast %lt3A_8 : vector<512x1xi1> to vector<512x1xi1>
    %broadcast_in_dim3A_10 = vector.broadcast %broadcast_in_dim3A_9 : vector<512x1xi1> to vector<512x1024xi1>
    %broadcast_in_dim3A_11 = vector.broadcast %jit3A : f32 to vector<512x1024xf32>
    %select_n3A = arith.select %broadcast_in_dim3A_10, %get3A_6, %broadcast_in_dim3A_11 : vector<512x1024xi1>, vector<512x1024xf32>
    %ge3A = arith.constant 20000 : i32
    %ge3A_12 = vector.broadcast %ge3A : i32 to vector<512x1xi32>
    %ge3A_13 = arith.cmpi sge, %broadcast_in_dim3A, %ge3A_12 : vector<512x1xi32>
    %lt3A_14 = arith.constant 40000 : i32
    %lt3A_15 = vector.broadcast %lt3A_14 : i32 to vector<512x1xi32>
    %lt3A_16 = arith.cmpi slt, %broadcast_in_dim3A, %lt3A_15 : vector<512x1xi32>
    %and3A = arith.andi %ge3A_13, %lt3A_16 : vector<512x1xi1>
    %slice3A = vector.extract_strided_slice %get3A_6 {offsets = [0, 0], sizes = [512, 512], strides = [1, 1]} : vector<512x1024xf32> to vector<512x512xf32>
    %jit3A_17 = arith.constant 0.000000e+00 : f32
    %broadcast_in_dim3A_18 = vector.shape_cast %and3A : vector<512x1xi1> to vector<512x1xi1>
    %broadcast_in_dim3A_19 = vector.broadcast %broadcast_in_dim3A_18 : vector<512x1xi1> to vector<512x512xi1>
    %broadcast_in_dim3A_20 = vector.broadcast %jit3A_17 : f32 to vector<512x512xf32>
    %select_n3A_21 = arith.select %broadcast_in_dim3A_19, %slice3A, %broadcast_in_dim3A_20 : vector<512x512xi1>, vector<512x512xf32>
    %convert_element_type3A = arith.truncf %select_n3A_21 : vector<512x512xf32> to vector<512x512xbf16>
    %get3A_22 = arith.constant 0 : index
    %get3A_23 = arith.constant 0 : index
    %get3A_24 = vector.load %arg3[%get3A_22, %get3A_23] : memref<512x1024xf32, #tpu.memory_space<vmem>>, vector<512x1024xf32>
    %convert_element_type3A_25 = arith.truncf %get3A_24 : vector<512x1024xf32> to vector<512x1024xbf16>
    %dot_general3A = arith.constant dense<0.000000e+00> : vector<512x1024xf32>
    %dot_general3A_26 = tpu.matmul %convert_element_type3A, %convert_element_type3A_25, %dot_general3A {dimension_numbers = #tpu.dot_dimension_numbers<[1], [0], [0], [1], [0, 0, 1, 1], [], []>, transpose_lhs_hint = false} : vector<512x512xbf16>, vector<512x1024xbf16>, vector<512x1024xf32> -> vector<512x1024xf32>
    %add3A = arith.addf %select_n3A, %dot_general3A_26 : vector<512x1024xf32>
    %ge3A_27 = arith.constant 40000 : i32
    %ge3A_28 = vector.broadcast %ge3A_27 : i32 to vector<512x1xi32>
    %ge3A_29 = arith.cmpi sge, %broadcast_in_dim3A, %ge3A_28 : vector<512x1xi32>
    %lt3A_30 = arith.constant 200000 : i32
    %lt3A_31 = vector.broadcast %lt3A_30 : i32 to vector<512x1xi32>
    %lt3A_32 = arith.cmpi slt, %broadcast_in_dim3A, %lt3A_31 : vector<512x1xi32>
    %and3A_33 = arith.andi %ge3A_29, %lt3A_32 : vector<512x1xi1>
    %slice3A_34 = vector.extract_strided_slice %get3A_6 {offsets = [0, 0], sizes = [512, 256], strides = [1, 1]} : vector<512x1024xf32> to vector<512x256xf32>
    %jit3A_35 = arith.constant 0.000000e+00 : f32
    %broadcast_in_dim3A_36 = vector.shape_cast %and3A_33 : vector<512x1xi1> to vector<512x1xi1>
    %broadcast_in_dim3A_37 = vector.broadcast %broadcast_in_dim3A_36 : vector<512x1xi1> to vector<512x256xi1>
    %broadcast_in_dim3A_38 = vector.broadcast %jit3A_35 : f32 to vector<512x256xf32>
    %select_n3A_39 = arith.select %broadcast_in_dim3A_37, %slice3A_34, %broadcast_in_dim3A_38 : vector<512x256xi1>, vector<512x256xf32>
    %convert_element_type3A_40 = arith.truncf %select_n3A_39 : vector<512x256xf32> to vector<512x256xbf16>
    %get3A_41 = arith.constant 0 : index
    %get3A_42 = arith.constant 0 : index
    %get3A_43 = vector.load %arg4[%get3A_41, %get3A_42] : memref<256x1024xf32, #tpu.memory_space<vmem>>, vector<256x1024xf32>
    %convert_element_type3A_44 = arith.truncf %get3A_43 : vector<256x1024xf32> to vector<256x1024xbf16>
    %dot_general3A_45 = arith.constant dense<0.000000e+00> : vector<512x1024xf32>
    %dot_general3A_46 = tpu.matmul %convert_element_type3A_40, %convert_element_type3A_44, %dot_general3A_45 {dimension_numbers = #tpu.dot_dimension_numbers<[1], [0], [0], [1], [0, 0, 1, 1], [], []>, transpose_lhs_hint = false} : vector<512x256xbf16>, vector<256x1024xbf16>, vector<512x1024xf32> -> vector<512x1024xf32>
    %add3A_47 = arith.addf %add3A, %dot_general3A_46 : vector<512x1024xf32>
    %ge3A_48 = arith.constant 200000 : i32
    %ge3A_49 = vector.broadcast %ge3A_48 : i32 to vector<512x1xi32>
    %ge3A_50 = arith.cmpi sge, %broadcast_in_dim3A, %ge3A_49 : vector<512x1xi32>
    %slice3A_51 = vector.extract_strided_slice %get3A_6 {offsets = [0, 0], sizes = [512, 128], strides = [1, 1]} : vector<512x1024xf32> to vector<512x128xf32>
    %jit3A_52 = arith.constant 0.000000e+00 : f32
    %broadcast_in_dim3A_53 = vector.shape_cast %ge3A_50 : vector<512x1xi1> to vector<512x1xi1>
    %broadcast_in_dim3A_54 = vector.broadcast %broadcast_in_dim3A_53 : vector<512x1xi1> to vector<512x128xi1>
    %broadcast_in_dim3A_55 = vector.broadcast %jit3A_52 : f32 to vector<512x128xf32>
    %select_n3A_56 = arith.select %broadcast_in_dim3A_54, %slice3A_51, %broadcast_in_dim3A_55 : vector<512x128xi1>, vector<512x128xf32>
    %convert_element_type3A_57 = arith.truncf %select_n3A_56 : vector<512x128xf32> to vector<512x128xbf16>
    %get3A_58 = arith.constant 0 : index
    %get3A_59 = arith.constant 0 : index
    %get3A_60 = vector.load %arg5[%get3A_58, %get3A_59] : memref<128x1024xf32, #tpu.memory_space<vmem>>, vector<128x1024xf32>
    %convert_element_type3A_61 = arith.truncf %get3A_60 : vector<128x1024xf32> to vector<128x1024xbf16>
    %dot_general3A_62 = arith.constant dense<0.000000e+00> : vector<512x1024xf32>
    %dot_general3A_63 = tpu.matmul %convert_element_type3A_57, %convert_element_type3A_61, %dot_general3A_62 {dimension_numbers = #tpu.dot_dimension_numbers<[1], [0], [0], [1], [0, 0, 1, 1], [], []>, transpose_lhs_hint = false} : vector<512x128xbf16>, vector<128x1024xbf16>, vector<512x1024xf32> -> vector<512x1024xf32>
    %add3A_64 = arith.addf %add3A_47, %dot_general3A_63 : vector<512x1024xf32>
    %swap3A = arith.constant 0 : index
    %swap3A_65 = arith.constant 0 : index
    %swap3A_66 = vector.load %arg6[%swap3A, %swap3A_65] : memref<512x1024xf32, #tpu.memory_space<vmem>>, vector<512x1024xf32>
    tpu.vector_store %arg6[%swap3A, %swap3A_65], %add3A_64 {strides = array<i32>} : memref<512x1024xf32, #tpu.memory_space<vmem>>, vector<512x1024xf32>,
    return
  }
  func.func @transform_0(%arg0: i32) -> (i32, i32, i32) {
    %c0_i32 = arith.constant 0 : i32
    %c0_i32_0 = arith.constant 0 : i32
    %c0_i32_1 = arith.constant 0 : i32
    return %arg0, %c0_i32, %c0_i32_0 : i32, i32, i32
  }
  func.func @transform_1(%arg0: i32) -> (i32, i32) {
    %c0_i32 = arith.constant 0 : i32
    %c0_i32_0 = arith.constant 0 : i32
    return %arg0, %c0_i32 : i32, i32
  }
  func.func @transform_2(%arg0: i32) -> (i32, i32) {
    %c0_i32 = arith.constant 0 : i32
    %c0_i32_0 = arith.constant 0 : i32
    %c0_i32_1 = arith.constant 0 : i32
    return %c0_i32, %c0_i32_0 : i32, i32
  }
  func.func @transform_3(%arg0: i32) -> (i32, i32) {
    %c0_i32 = arith.constant 0 : i32
    %c0_i32_0 = arith.constant 0 : i32
    %c0_i32_1 = arith.constant 0 : i32
    return %c0_i32, %c0_i32_0 : i32, i32
  }
  func.func @transform_4(%arg0: i32) -> (i32, i32) {
    %c0_i32 = arith.constant 0 : i32
    %c0_i32_0 = arith.constant 0 : i32
    %c0_i32_1 = arith.constant 0 : i32
    return %c0_i32, %c0_i32_0 : i32, i32
  }
  func.func @transform_5(%arg0: i32) -> (i32, i32) {
    %c0_i32 = arith.constant 0 : i32
    %c0_i32_0 = arith.constant 0 : i32
    return %arg0, %c0_i32 : i32, i32
  }
}

</mosaic_0001>

<sc_bundles>
// kernel: kernel.4.cloned.1.call-start
scs
__scs_entry_jumppad:
0x0: {  	(pc) =	sbr.rel $0x88, $3  }
0x1: {  	(tag) =	ssettag $0x0;
	lr =	simm.s32 $0x1  }
0x2: {  	[smem:$0x3F99] =	sst lr;
	_ =	strace $0xD0000000  }
0x3: {  	_ = 	snop  }
0x4: {  	_ = 	snop  }
0x5: {  	_ = 	snop  }
0x6: {  	_ = 	snop  }
0x7: {  	_ = 	snop  }
__scs_overlays_trampoline_lowered:
0x8: {  	[smem:$0x3FA8] =	sst s0  }
0x9: {  	[smem:$0x3FA9] =	sst s1  }
0xa: {  	[smem:$0x3FAA] =	sst s2  }
0xb: {  	[smem:$0x3FAB] =	sst s3  }
0xc: {  	[smem:$0x3FAC] =	sst s4  }
0xd: {  	[smem:$0x3FAD] =	sst s5  }
0xe: {  	[smem:$0x3FAE] =	sst s6  }
0xf: {  	[smem:$0x3FAF] =	sst s7  }
0x10: {  	[smem:$0x3FB0] =	sst s8  }
0x11: {  	[smem:$0x3FB1] =	sst s9;
	s0 =	simm.s32 @!p0 $0x0  }
0x12: {  	s1 =	sld [smem:$0x3F97];
	s0 =	simm.s32 @p0 $0x1  }
0x13: {  	[smem:$0x3FB2] =	sst s0;
	s0 =	simm.s32 @!p1 $0x0  }
0x14: {  	s2 =	sld [smem:$0x3F96];
	s0 =	simm.s32 @p1 $0x1  }
0x15: {  	[smem:$0x3FB3] =	sst s0;
	s0 =	simm.s32 @!p2 $0x0  }
0x16: {  	s3 =	sld [smem:$0x3FDB];
	s0 =	simm.s32 @p2 $0x1  }
0x17: {  	s4 =	simm.s32 $0x1BF5;
	[smem:$0x3FB5] =	sst s0  }
0x18: {  	s0 =	sld [smem:$0x3F98];
	_ =	swait.ge [sflag:s4], $0x0  }
0x19: {  	s7 =	sld [smem:$0x3F99]  }
0x1a: {  	s8 =	sadd.s32 $0xFFFFE003, lr  }
0x1b: {  	s9 =	sadd.s32 $0xFFFFFEF7, lr;
	s5 =	simm.s32 $0xFFFFFFFF;
	p2 =	slt.u32 s8, $0xFFFFF086  }
0x1c: {  	p1 =	slt.u32 s9, $0xF7A;
	s5 =	simm.s32 @!p2 $0x0  }
0x1d: {  	s5 =	simm.s32 @p1 $0x1;
	p0 =	seq.s32 s7, s2  }
0x1e: {  	s7 =	smul.u32 @!p0 $0xF7A, s2;
	p2 =	seq.s32 @!p0 s5, $0x0  }
0x1f: {  	s9 =	smul.u32 $0xF7A, s1;
	s8 =	simm.s32 @!p0 $0x1BF5;
	p2 =	por !p2, p0  }
0x20: {  	[sflag:s8] =	ssyncset.s32 @!p0 $0xFFFFF086;
	s6 =	sadd.s32 @!p0 s3, s7;
	s7 =	simm.s32 @!p0 $0x108  }
0x21: {  	s3 =	sadd.s32 s3, s9;
	s6 =	sadd.s32 @!p0 $0x88, s6;
	s7 =	simm.s32 @p2 $0x1082  }
0x22: {  	[simem:s7], [sflag:s8] =	dma.local @!p0 [hbm:s6], $0xF7A  }
0x23: {  	s9 =	sor.u32 $0xD0000000, s2;
	s6 =	simm.s32 $0x108;
	_ =	swait.ge @!p0 [sflag:s8], $0x0  }
0x24: {  	s3 =	sadd.s32 $0x88, s3;
	s6 =	simm.s32 @!p1 $0x1082;
	[sflag:s4] =	ssyncset.s32 $0xFFFFF086  }
0x25: {  	[simem:s6], [sflag:s4] =	dma.local [hbm:s3], $0xF7A  }
0x26: {  	[smem:$0x3F99] =	sst s1;
	(tag) =	ssettag s2;
	_ =	strace s9  }
0x27: {  	s1 =	sld [smem:$0x3FA9]  }
0x28: {  	s2 =	sld [smem:$0x3FAA]  }
0x29: {  	s4 =	sld [smem:$0x3FAC]  }
0x2a: {  	p0 =	seq.s32 s5, $0x0;
	s5 =	sld [smem:$0x3FAD]  }
0x2b: {  	s6 =	sld [smem:$0x3FAE]  }
0x2c: {  	s7 =	sld [smem:$0x3FAF]  }
0x2d: {  	s3 =	simm.s32 $0x108;
	s8 =	sld [smem:$0x3FB0]  }
0x2e: {  	s3 =	simm.s32 @!p0 $0x1082;
	s9 =	sld [smem:$0x3FB1]  }
0x2f: {  	lr =	sadd.s32 s0, s3;
	s0 =	sld [smem:$0x3FA8]  }
0x30: {  	s3 =	sld [smem:$0x3FAB]  }
0x31: {  	[smem:$0x3FB4] =	sst s10  }
0x32: {  	s10 =	sld [smem:$0x3FB2];
	_ =	sdelay $0x3  }
0x33: {  	p0 =	seq.s32 s10, $0x1;
	s10 =	sld [smem:$0x3FB4];
	_ =	sdelay $0x3  }
0x34: {  	[smem:$0x3FB4] =	sst s10  }
0x35: {  	s10 =	sld [smem:$0x3FB3];
	_ =	sdelay $0x3  }
0x36: {  	p1 =	seq.s32 s10, $0x1;
	s10 =	sld [smem:$0x3FB4];
	_ =	sdelay $0x3  }
0x37: {  	[smem:$0x3FB4] =	sst s10  }
0x38: {  	s10 =	sld [smem:$0x3FB5]  }
0x39: {  	_ = 	snop;
	(pc) =	sbr.ind lr, $3  }
0x3a: {  	_ = 	snop  }
0x3b: {  	_ = 	snop  }
0x3c: {  	p2 =	seq.s32 s10, $0x1;
	s10 =	sld [smem:$0x3FB4]  }
0x3d: {  	_ =	shalt  }
0x3e: {  	_ =	shalt  }
0x3f: {  	_ =	shalt  }
0x40: {  	_ =	shalt  }
0x41: {  	_ =	shalt  }
0x42: {  	_ =	shalt  }
0x43: {  	_ =	shalt  }
0x44: {  	_ =	shalt  }
0x45: {  	_ =	shalt  }
0x46: {  	_ =	shalt  }
0x47: {  	_ =	shalt  }
0x48: {  	_ =	shalt  }
0x49: {  	_ =	shalt  }
0x4a: {  	_ =	shalt  }
0x4b: {  	_ =	shalt  }
0x4c: {  	_ =	shalt  }
0x4d: {  	_ =	shalt  }
0x4e: {  	_ =	shalt  }
0x4f: {  	_ =	shalt  }
0x50: {  	_ =	shalt  }
0x51: {  	_ =	shalt  }
0x52: {  	_ =	shalt  }
0x53: {  	_ =	shalt  }
0x54: {  	_ =	shalt  }
0x55: {  	_ =	shalt  }
0x56: {  	_ =	shalt  }
0x57: {  	_ =	shalt  }
0x58: {  	_ =	shalt  }
0x59: {  	_ =	shalt  }
0x5a: {  	_ =	shalt  }
0x5b: {  	_ =	shalt  }
0x5c: {  	_ =	shalt  }
0x5d: {  	_ =	shalt  }
0x5e: {  	_ =	shalt  }
0x5f: {  	_ =	shalt  }
0x60: {  	_ =	shalt  }
0x61: {  	_ =	shalt  }
0x62: {  	_ =	shalt  }
0x63: {  	_ =	shalt  }
0x64: {  	_ =	shalt  }
0x65: {  	_ =	shalt  }
0x66: {  	_ =	shalt  }
0x67: {  	_ =	shalt  }
0x68: {  	_ =	shalt  }
0x69: {  	_ =	shalt  }
0x6a: {  	_ =	shalt  }
0x6b: {  	_ =	shalt  }
0x6c: {  	_ =	shalt  }
0x6d: {  	_ =	shalt  }
0x6e: {  	_ =	shalt  }
0x6f: {  	_ =	shalt  }
0x70: {  	_ =	shalt  }
0x71: {  	_ =	shalt  }
0x72: {  	_ =	shalt  }
0x73: {  	_ =	shalt  }
0x74: {  	_ =	shalt  }
0x75: {  	_ =	shalt  }
0x76: {  	_ =	shalt  }
0x77: {  	_ =	shalt  }
0x78: {  	_ =	shalt  }
0x79: {  	_ =	shalt  }
0x7a: {  	_ =	shalt  }
0x7b: {  	_ =	shalt  }
0x7c: {  	_ =	shalt  }
0x7d: {  	_ =	shalt  }
0x7e: {  	_ =	shalt  }
0x7f: {  	_ =	shalt  }
0x80: {  	_ =	shalt  }
0x81: {  	_ =	shalt  }
0x82: {  	_ =	shalt  }
0x83: {  	_ =	shalt  }
0x84: {  	_ =	shalt  }
0x85: {  	_ =	shalt  }
0x86: {  	_ =	shalt  }
0x87: {  	_ =	shalt  }
.Lfunc_end0:
.L_simem_size_0:
called_computation_lowered:
.L_overlay_start_0:
0x88: {  	s2 =	sld [smem:$0x3FD9]  }
0x89: {  	s3 =	sld [smem:$0x3FFE];
	_ =	sdelay $0x1  }
0x8a: {  	s1 =	srdreg.scid  }
0x8b: {  	s0 =	sand.u32 $0x1, s1  }
0x8c: {  	s17 =	sshll.u32 s0, $0xA;
	s2 =	sadd.s32 s3, s2  }
0x8d: {  	s2 =	sadd.s32 s2, s17  }
0x8e: {  	[smem:$0x3FC0] =	sst s2  }
0x8f: {  	_ = 	snop  }
0x90: {  	s2 =	sld [smem:$0x3FC8]  }
0x91: {  	s18 =	sld [smem:$0x3FC7]  }
0x92: {  	s4 =	sld [smem:$0x3FC6]  }
0x93: {  	s5 =	sld [smem:$0x3FC5]  }
0x94: {  	s6 =	sld [smem:$0x3FD0];
	(tm) =	ssettm $0x1  }
0x95: {  	s7 =	sld [smem:$0x3FFB];
	_ =	sdelay $0x3  }
0x96: {  	_ =	strace s7  }
0x97: {  	s7 =	sld [smem:$0x3FFC];
	_ =	sdelay $0x3  }
0x98: {  	_ =	strace s7  }
0x99: {  	s7 =	sld [smem:$0x3FFD];
	_ =	sdelay $0x3  }
0x9a: {  	_ =	strace s7  }
0x9b: {  	_ =	strace $0x8FFFFFFF  }
0x9c: {  	s19 =	sld [smem:$0x3FDB];
	_ =	sdelay $0x1  }
0x9d: {  	s8 =	simm.s32 $_scs_section_size  }
0x9e: {  	s9 =	simm.s32 $_size__tile_overlayer_lowered;
	s10 =	simm.s32 $_tile_overlayer_lowered  }
0x9f: {  	s22 =	simm.s32 $0x1BFF;
	s21 =	sshll.u32 s10, $0x1;
	s7 =	sadd.s32 s8, s19  }
0xa0: {  	s11 =	simm.s32 $0x0;
	s20 =	sshll.u32 s9, $0x1;
	s9 =	sadd.s32 s21, s7  }
0xa1: {  	[timem:s11], [sflag:s22] =	dma.local [hbm:s9], s20  }
0xa2: {  	_ =	swait.ge [sflag:s22], s20  }
0xa3: {  	s8 =	ssub.s32 $0x0, s20;
	[sflag:s22] =	ssyncset.done $0x0  }
0xa4: {  	[sflag:s22] =	ssyncadd.s32 s8;
	_ =	sdelay $0x1  }
0xa5: {  	s23 =	simm.s32 $0x1B8B  }
0xa6: {  	_ =	swait.ge [sflag:s23], $0x1  }
0xa7: {  	[sflag:s23] =	ssyncset.done $0x0  }
0xa8: {  	s25 =	simm.s32 $0x1B8E;
	s24 =	sld [smem:$0x3FFE];
	[sflag:s23] =	ssyncadd.s32 $0xFFFFFFFF  }
0xa9: {  	s26 =	simm.s32 $execute0_lowered;
	[smem:$0x3FD2] =	sst s25  }
0xaa: {  	s9 =	sshll.u32 s26, $0x1;
	_ =	strace $0x80000046;
	[dreg:$0x1] =	wrdreg $0xFFFFFFFF  }
0xab: {  	s28 =	simm.s32 $_size_execute0_lowered;
	s7 =	sadd.s32 s7, s9;
	[dreg:$0x0] =	wrdreg $0x0  }
0xac: {  	s9 =	sshll.u32 s28, $0x1;
	[dreg:$0x2] =	wrdreg s7  }
0xad: {  	[dreg:$0x3] =	wrdreg s9  }
0xae: {  	[dreg:$0x4] =	wrdreg $0xC0  }
0xaf: {  	_ =	task [dreg:s11], $0x5FFFF  }
0xb0: {  	[dreg:$0x1] =	wrdreg $0xFFFFFFFF  }
0xb1: {  	[dreg:$0x0] =	wrdreg $0x60  }
0xb2: {  	[dreg:$0x2] =	wrdreg s6  }
0xb3: {  	[dreg:$0x3] =	wrdreg s2  }
0xb4: {  	[dreg:$0x4] =	wrdreg s18  }
0xb5: {  	[dreg:$0x5] =	wrdreg s4  }
0xb6: {  	[dreg:$0x6] =	wrdreg s5  }
0xb7: {  	[dreg:$0x7] =	wrdreg s24  }
0xb8: {  	[dreg:$0x8] =	wrdreg $0x9  }
0xb9: {  	_ =	task.clear_ibuf [dreg:s11], $0x9FFFF;
	_ =	strace $0x90000046  }
0xba: {  	s29 =	simm.s32 $0x9;
	_ =	strace $0x8000004F  }
0xbb: {  	_ =	swait.ge [sflag:s29], $0x1  }
0xbc: {  	[sflag:s29] =	ssyncadd.s32 $0xFFFFFFFF  }
0xbd: {  	_ =	strace $0x9000004F  }
0xbe: {  	_ =	sfence  }
0xbf: {  	s30 =	sld [smem:$0x0];
	_ =	sdelay $0x2  }
0xc0: {  	s31 =	sshll.u32 s1, $0xD;
	s1 =	sshrl.u32 s1, $0x2  }
0xc1: {  	s3 =	sand.u32 $0x4000, s31;
	s1 =	sadd.s32 s1, s30  }
0xc2: {  	s0 =	sor.u32 s3, s0;
	s1 =	sshll.u32 s1, $0x11  }
0xc3: {  	s0 =	sor.u32 s1, s0  }
0xc4: {  	s0 =	sadd.s32 $0x8F2B, s0  }
0xc5: {  	[sflag:s0] =	ssyncadd.remote.s32 $0x1  }
0xc6: {  	_ =	sfence.sel $0xFFFF  }
0xc7: {  	[dreg:$0x0] =	wrdreg $0xFFFFFFFF;
	(pc) =	sbr.abs _section_cstart, $3  }
0xc8: {  	[dreg:$0x1] =	wrdreg $0xFFFFFFFF  }
0xc9: {  	_ =	task.clear_ibuf [dreg:s11], $0x2FFFF;
	_ =	strace $0x9FFFFFFF  }
0xca: {  	(tm) =	ssettm $0x7FFFFFFF  }
0xcb: {  	_ =	shalt  }
tec
execute0_lowered:
.L_overlay_start_1:
0x0: {  	(tag) =	ssettag $0x1  }
0x1: {  	s0 =	rddreg [dreg:$0x0]  }
0x2: {  	s1 =	rddreg [dreg:$0x1]  }
0x3: {  	s2 =	rddreg [dreg:$0x2]  }
0x4: {  	s4 =	rddreg [dreg:$0x5];
	s6 =	simm.s32 $0x0;
	s5 =	srdreg.scid  }
0x5: {  	s3 =	stileid.u32;
	s19 =	simm.s32 $0x100;
	s20 =	simm.s32 $0x500  }
0x6: {  	s21 =	simm.s32 $0x200;
	s22 =	simm.s32 $0x600;
	s23 =	simm.s32 $0x300  }
0x7: {  	s24 =	simm.s32 $0x700;
	s25 =	simm.s32 $0x400;
	s26 =	simm.s32 $0x800  }
0x8: {  	s28 =	simm.s32 $0x1;
	[smem:$0x7FF] =	sst s6;
	s5 =	sand.u32 $0x1, s5  }
0x9: {  	v0 =	vimm.s32 $0x0;
	v1 =	vlaneseq.u32;
	s8 =	sshll.u32 s3, $0x9;
	s10 =	sadd.s32 $0x100, s1;
	s11 =	sadd.s32 $0x200, s1  }
0xa: {  	v2 =	vimm.s32 $0x2000;
	vm0 =	vmmov $0xffff;
	v6 =	vimm.s32 $0x7;
	s12 =	sadd.s32 $0x300, s1;
	s13 =	sadd.s32 $0xD00, s4;
	s14 =	sadd.s32 $0xE00, s4  }
0xb: {  	v7 =	vimm.s32 $0x3;
	v8 =	vimm.s32 $0x1;
	v9 =	vimm.s32 $0x2;
	s15 =	sadd.s32 $0xF00, s4;
	s7 =	ssub.s32 $0x2, s5;
	s5 =	sshll.u32 s5, $0x8  }
.Ltmp0:
0xc: {  	v10 =	vimm.s32 $0x4;
	v11 =	vimm.s32 $0x5;
	v12 =	vimm.s32 $0x6;
	s16 =	sadd.s32 $0x100, s2;
	s3 =	sor.u32 s5, s8;
	(pc) =	sbr.rel .LBB2_1-.Ltmp0, $4  }
0xd: {  	v13 =	vimm.s32 $0x8;
	v14 =	vimm.s32 $0x9;
	v15 =	vimm.s32 $0xA;
	_ =	strace $0x80000047;
	s9 =	sshrl.u32 s7, $0x1;
	s30 =	sshrl.u32 s3, $0x3  }
0xe: {  	v16 =	vimm.s32 $0xB;
	v17 =	vimm.s32 $0xC;
	v18 =	vimm.s32 $0xD;
	s29 =	ssub.s32 s7, s9;
	[dreg:$0x8] =	wrdreg s3;
	s0 =	sadd.s32 s0, s30  }
0xf: {  	v19 =	vimm.s32 $0xE;
	v20 =	vimm.s32 $0xF;
	v4 =	vshrl.u32 v1, $0x3;
	s8 =	sadd.s32 $0xC00, s4;
	s31 =	smax.u32 s29, $0x1;
	[dreg:$0x9] =	wrdreg s0  }
0x10: {  	v3 =	vand.u32 $0x7, v1;
	v5 =	vor.u32 $0x8, v1;
	v4 =	vmul.u32 $0x8, v4;
	s4 =	simm.s32 $0x0;
	[dreg:$0xa] =	wrdreg s31;
	s0 =	simm.s32 $0x2  }
.LBB2_22:
0x11: {  	s4 =	sadd.s32 $0x1, s4;
	s3 =	rddreg [dreg:$0xa]  }
0x12: {  	p0 =	sne.s32 s4, s3  }
.Ltmp1:
0x13: {  	_ = 	snop;
	(pc) =	sbr.rel @!p0 .LBB2_23-.Ltmp1, $2  }
0x14: {  	_ =	sdelay $0x2  }
0x15: {  	_ =	strace $0x9000004E  }
.LBB2_1:
0x16: {  	[dreg:$0xb] =	wrdreg s4  }
0x17: {  	_ =	strace $0x80000048  }
0x18: {  	s9 =	simm.s32 $0x3;
	s3 =	rddreg [dreg:$0x9]  }
0x19: {  	[tilespmem:s6], [sflag:$0x3] =	stream.linear.gather [hbm4b:s3+s6], $0x100, $0x200038;
	[tilespmem:$0xF900] =	vst v63  }
0x1a: {  	_ =	swait.ge [sflag:s9], $0x100  }
0x1b: {  	[sflag:s9] =	ssyncset.done $0x0  }
0x1c: {  	[sflag:s9] =	ssyncadd.s32 $0xFFFFFF00  }
0x1d: {  	_ =	strace $0x90000048  }
0x1e: {  	_ =	strace $0x80000049;
	[tilespmem:$0x100] =	vst v0  }
0x1f: {  	[tilespmem:$0x500] =	vst v2  }
0x20: {  	[tilespmem:$0x200] =	vst v0  }
0x21: {  	[tilespmem:$0x600] =	vst v2  }
0x22: {  	[tilespmem:$0x300] =	vst v0  }
0x23: {  	[tilespmem:$0x700] =	vst v2  }
0x24: {  	[tilespmem:$0x400] =	vst v0  }
0x25: {  	[tilespmem:$0x800] =	vst v2  }
0x26: {  	[tilespmem:$0x110] =	vst v0  }
0x27: {  	[tilespmem:$0x510] =	vst v2  }
0x28: {  	[tilespmem:$0x210] =	vst v0  }
0x29: {  	[tilespmem:$0x610] =	vst v2  }
0x2a: {  	[tilespmem:$0x310] =	vst v0  }
0x2b: {  	[tilespmem:$0x710] =	vst v2  }
0x2c: {  	[tilespmem:$0x410] =	vst v0  }
0x2d: {  	[tilespmem:$0x810] =	vst v2  }
0x2e: {  	[tilespmem:$0x120] =	vst v0  }
0x2f: {  	[tilespmem:$0x520] =	vst v2  }
0x30: {  	[tilespmem:$0x220] =	vst v0  }
0x31: {  	[tilespmem:$0x620] =	vst v2  }
0x32: {  	[tilespmem:$0x320] =	vst v0  }
0x33: {  	[tilespmem:$0x720] =	vst v2  }
0x34: {  	[tilespmem:$0x420] =	vst v0  }
0x35: {  	[tilespmem:$0x820] =	vst v2  }
0x36: {  	[tilespmem:$0x130] =	vst v0  }
0x37: {  	[tilespmem:$0x530] =	vst v2  }
0x38: {  	[tilespmem:$0x230] =	vst v0  }
0x39: {  	[tilespmem:$0x630] =	vst v2  }
0x3a: {  	[tilespmem:$0x330] =	vst v0  }
0x3b: {  	[tilespmem:$0x730] =	vst v2  }
0x3c: {  	[tilespmem:$0x430] =	vst v0  }
0x3d: {  	[tilespmem:$0x830] =	vst v2  }
0x3e: {  	[tilespmem:$0x140] =	vst v0  }
0x3f: {  	[tilespmem:$0x540] =	vst v2  }
0x40: {  	[tilespmem:$0x240] =	vst v0  }
0x41: {  	[tilespmem:$0x640] =	vst v2  }
0x42: {  	[tilespmem:$0x340] =	vst v0  }
0x43: {  	[tilespmem:$0x740] =	vst v2  }
0x44: {  	[tilespmem:$0x440] =	vst v0  }
0x45: {  	[tilespmem:$0x840] =	vst v2  }
0x46: {  	[tilespmem:$0x150] =	vst v0  }
0x47: {  	[tilespmem:$0x550] =	vst v2  }
0x48: {  	[tilespmem:$0x250] =	vst v0  }
0x49: {  	[tilespmem:$0x650] =	vst v2  }
0x4a: {  	[tilespmem:$0x350] =	vst v0  }
0x4b: {  	[tilespmem:$0x750] =	vst v2  }
0x4c: {  	[tilespmem:$0x450] =	vst v0  }
0x4d: {  	[tilespmem:$0x850] =	vst v2  }
0x4e: {  	[tilespmem:$0x160] =	vst v0  }
0x4f: {  	[tilespmem:$0x560] =	vst v2  }
0x50: {  	[tilespmem:$0x260] =	vst v0  }
0x51: {  	[tilespmem:$0x660] =	vst v2  }
0x52: {  	[tilespmem:$0x360] =	vst v0  }
0x53: {  	[tilespmem:$0x760] =	vst v2  }
0x54: {  	[tilespmem:$0x460] =	vst v0  }
0x55: {  	[tilespmem:$0x860] =	vst v2  }
0x56: {  	[tilespmem:$0x170] =	vst v0  }
0x57: {  	[tilespmem:$0x570] =	vst v2  }
0x58: {  	[tilespmem:$0x270] =	vst v0  }
0x59: {  	[tilespmem:$0x670] =	vst v2  }
0x5a: {  	[tilespmem:$0x370] =	vst v0  }
0x5b: {  	[tilespmem:$0x770] =	vst v2  }
0x5c: {  	[tilespmem:$0x470] =	vst v0  }
0x5d: {  	[tilespmem:$0x870] =	vst v2  }
0x5e: {  	[tilespmem:$0x180] =	vst v0  }
0x5f: {  	[tilespmem:$0x580] =	vst v2  }
0x60: {  	[tilespmem:$0x280] =	vst v0  }
0x61: {  	[tilespmem:$0x680] =	vst v2  }
0x62: {  	[tilespmem:$0x380] =	vst v0  }
0x63: {  	[tilespmem:$0x780] =	vst v2  }
0x64: {  	[tilespmem:$0x480] =	vst v0  }
0x65: {  	[tilespmem:$0x880] =	vst v2  }
0x66: {  	[tilespmem:$0x190] =	vst v0  }
0x67: {  	[tilespmem:$0x590] =	vst v2  }
0x68: {  	[tilespmem:$0x290] =	vst v0  }
0x69: {  	[tilespmem:$0x690] =	vst v2  }
0x6a: {  	[tilespmem:$0x390] =	vst v0  }
0x6b: {  	[tilespmem:$0x790] =	vst v2  }
0x6c: {  	[tilespmem:$0x490] =	vst v0  }
0x6d: {  	[tilespmem:$0x890] =	vst v2  }
0x6e: {  	[tilespmem:$0x1A0] =	vst v0  }
0x6f: {  	[tilespmem:$0x5A0] =	vst v2  }
0x70: {  	[tilespmem:$0x2A0] =	vst v0  }
0x71: {  	[tilespmem:$0x6A0] =	vst v2  }
0x72: {  	[tilespmem:$0x3A0] =	vst v0  }
0x73: {  	[tilespmem:$0x7A0] =	vst v2  }
0x74: {  	[tilespmem:$0x4A0] =	vst v0  }
0x75: {  	[tilespmem:$0x8A0] =	vst v2  }
0x76: {  	[tilespmem:$0x1B0] =	vst v0  }
0x77: {  	[tilespmem:$0x5B0] =	vst v2  }
0x78: {  	[tilespmem:$0x2B0] =	vst v0  }
0x79: {  	[tilespmem:$0x6B0] =	vst v2  }
0x7a: {  	[tilespmem:$0x3B0] =	vst v0  }
0x7b: {  	[tilespmem:$0x7B0] =	vst v2  }
0x7c: {  	[tilespmem:$0x4B0] =	vst v0  }
0x7d: {  	[tilespmem:$0x8B0] =	vst v2  }
0x7e: {  	[tilespmem:$0x1C0] =	vst v0  }
0x7f: {  	[tilespmem:$0x5C0] =	vst v2  }
0x80: {  	[tilespmem:$0x2C0] =	vst v0  }
0x81: {  	[tilespmem:$0x6C0] =	vst v2  }
0x82: {  	[tilespmem:$0x3C0] =	vst v0  }
0x83: {  	[tilespmem:$0x7C0] =	vst v2  }
0x84: {  	[tilespmem:$0x4C0] =	vst v0  }
0x85: {  	[tilespmem:$0x8C0] =	vst v2  }
0x86: {  	[tilespmem:$0x1D0] =	vst v0  }
0x87: {  	[tilespmem:$0x5D0] =	vst v2  }
0x88: {  	[tilespmem:$0x2D0] =	vst v0  }
0x89: {  	[tilespmem:$0x6D0] =	vst v2  }
0x8a: {  	[tilespmem:$0x3D0] =	vst v0  }
0x8b: {  	[tilespmem:$0x7D0] =	vst v2  }
0x8c: {  	[tilespmem:$0x4D0] =	vst v0  }
0x8d: {  	[tilespmem:$0x8D0] =	vst v2  }
0x8e: {  	[tilespmem:$0x1E0] =	vst v0  }
0x8f: {  	[tilespmem:$0x5E0] =	vst v2  }
0x90: {  	[tilespmem:$0x2E0] =	vst v0  }
0x91: {  	[tilespmem:$0x6E0] =	vst v2  }
0x92: {  	[tilespmem:$0x3E0] =	vst v0  }
0x93: {  	[tilespmem:$0x7E0] =	vst v2  }
0x94: {  	[tilespmem:$0x4E0] =	vst v0  }
0x95: {  	[tilespmem:$0x8E0] =	vst v2  }
0x96: {  	[tilespmem:$0x1F0] =	vst v0  }
0x97: {  	[tilespmem:$0x5F0] =	vst v2  }
0x98: {  	[tilespmem:$0x2F0] =	vst v0  }
0x99: {  	[tilespmem:$0x6F0] =	vst v2  }
0x9a: {  	[tilespmem:$0x3F0] =	vst v0  }
0x9b: {  	[tilespmem:$0x7F0] =	vst v2  }
0x9c: {  	[tilespmem:$0x4F0] =	vst v0  }
0x9d: {  	[tilespmem:$0x8F0] =	vst v2  }
0x9e: {  	_ =	strace $0x90000049  }
0x9f: {  	s17 =	simm.s32 $0x0;
	_ =	strace $0x8000004A  }
0xa0: {  	v21 =	vld [tilespmem:s17+$0x0];
	_ =	sdelay $0x4  }
0xa1: {  	vm2 =	vlt.s32 v21, $0x4E20;
	v22 =	vadd.s32 $0xFFFFB1E0, v21  }
0xa2: {  	vm3 =	vlt.u32 v22, $0x4E20;
	v23 =	vsel vm2, $0x1, v0  }
0xa3: {  	v24 =	vsel vm3, $0x1, v0;
	(xrf0) =	vadd.scan.msk.s32 $0xffff, v23  }
0xa4: {  	(xrf0) =	vadd.scan.msk.s32 $0xffff, v24;
	_ =	sdelay $0x4  }
0xa5: {  	v28, _, _ =	vpop (xrf0)  }
0xa6: {  	(v2sf) =	vpush v28, $0xF;
	v29, _, _ =	vpop (xrf0)  }
0xa7: {  	(v2sf) =	vpush v29, $0xF;
	_ =	sdelay $0x4  }
0xa8: {  	v25 =	vadd.s32 $0xFFFF63C0, v21;
	vm1 =	vgt.s32 v21, $0x30D3F  }
0xa9: {  	vm4 =	vlt.u32 v25, $0x27100;
	v26 =	vsel vm1, $0x1, v0  }
0xaa: {  	v27 =	vsel vm4, $0x1, v0;
	(xrf0) =	vadd.scan.msk.s32 $0xffff, v26  }
0xab: {  	(xrf0) =	vadd.scan.msk.s32 $0xffff, v27;
	_ =	sdelay $0x3  }
0xac: {  	v23 =	vsub.s32 v28, v23  }
0xad: {  	v23 =	vadd.s32 s6, v23;
	v62, _, _ =	vpop (xrf0)  }
0xae: {  	v24 =	vsub.s32 v29, v24;
	v63, _, _ =	vpop (xrf0);
	s18 =	spop (v2sf);
	(v2sf) =	vpush v62, $0xF  }
0xaf: {  	v24 =	vadd.s32 s6, v24;
	s30 =	spop (v2sf);
	(v2sf) =	vpush v63, $0xF  }
0xb0: {  	v27 =	vsub.s32 v63, v27  }
0xb1: {  	s29 =	rddreg [dreg:$0x8];
	v27 =	vadd.s32 s6, v27  }
0xb2: {  	v30 =	vor.u32 s29, v1;
	v26 =	vsub.s32 v62, v26;
	[tilespmem:v23+s19+$0x0] =	vst.idx.msk vm2, v21  }
0xb3: {  	[tilespmem:v23+s20+$0x0] =	vst.idx.msk vm2, v30;
	v23 =	vadd.s32 s6, v26  }
0xb4: {  	[tilespmem:v24+s21+$0x0] =	vst.idx.msk vm3, v22  }
0xb5: {  	[tilespmem:v24+s22+$0x0] =	vst.idx.msk vm3, v30  }
0xb6: {  	[tilespmem:v27+s23+$0x0] =	vst.idx.msk vm4, v25  }
0xb7: {  	v21 =	vadd.s32 $0xFFFCF2C0, v21;
	[tilespmem:v27+s24+$0x0] =	vst.idx.msk vm4, v30  }
0xb8: {  	[tilespmem:v23+s25+$0x0] =	vst.idx.msk vm1, v21  }
0xb9: {  	s9 =	simm.s32 $0x10;
	[tilespmem:v23+s26+$0x0] =	vst.idx.msk vm1, v30  }
0xba: {  	s7 =	simm.s32 $0x80;
	s31 =	simm.s32 $0x0;
	v21 =	vld [tilespmem:s9+$0x0]  }
0xbb: {  	s17 =	simm.s32 $0x0;
	s5 =	sadd.s32 $0x0, s18;
	s9 =	simm.s32 $0x0  }
.LBB2_2:
0xbc: {  	s29 =	sadd.s32 $0x10, s29  }
0xbd: {  	s3 =	spop (v2sf);
	s18 =	smov.u32 s7;
	s4 =	sadd.s32 $0x40, s7  }
0xbe: {  	s17 =	sadd.s32 s17, s30;
	s9 =	sadd.s32 s9, s3;
	s3 =	spop (v2sf)  }
0xbf: {  	p0 =	sne.s32 s7, $0x3C0;
	vm3 =	vlt.s32 v21, $0x4E20;
	v22 =	vadd.s32 $0xFFFFB1E0, v21;
	v23 =	vadd.s32 $0xFFFF63C0, v21;
	s31 =	sadd.s32 s31, s3  }
0xc0: {  	vm4 =	vlt.u32 v22, $0x4E20;
	vm2 =	vlt.u32 v23, $0x27100;
	v24 =	vsel vm3, $0x1, v0  }
0xc1: {  	vm1 =	vgt.s32 v21, $0x30D3F;
	v25 =	vsel vm4, $0x1, v0;
	v26 =	vsel vm2, $0x1, v0;
	(xrf0) =	vadd.scan.msk.s32 $0xffff, v24  }
0xc2: {  	v27 =	vsel vm1, $0x1, v0;
	(xrf0) =	vadd.scan.msk.s32 $0xffff, v25  }
0xc3: {  	(xrf0) =	vadd.scan.msk.s32 $0xffff, v27  }
0xc4: {  	(xrf0) =	vadd.scan.msk.s32 $0xffff, v26;
	_ =	sdelay $0x2  }
0xc5: {  	v28, _, _ =	vpop (xrf0)  }
0xc6: {  	v24 =	vsub.s32 v28, v24;
	(v2sf) =	vpush v28, $0xF;
	v28, _, _ =	vpop (xrf0)  }
0xc7: {  	v24 =	vadd.s32 s5, v24;
	v25 =	vsub.s32 v28, v25;
	(v2sf) =	vpush v28, $0xF;
	v28, _, _ =	vpop (xrf0)  }
0xc8: {  	v27 =	vsub.s32 v28, v27;
	v29, _, _ =	vpop (xrf0);
	(v2sf) =	vpush v28, $0xF  }
0xc9: {  	v25 =	vadd.s32 s17, v25;
	v26 =	vsub.s32 v29, v26;
	(v2sf) =	vpush v29, $0xF;
	_ =	sdelay $0x1  }
0xca: {  	v26 =	vadd.s32 s31, v26  }
0xcb: {  	v28 =	vor.u32 s29, v1;
	[tilespmem:v24+s19+$0x0] =	vst.idx.msk vm3, v21  }
0xcc: {  	[tilespmem:v24+s20+$0x0] =	vst.idx.msk vm3, v28;
	v24 =	vadd.s32 s9, v27  }
0xcd: {  	[tilespmem:v25+s21+$0x0] =	vst.idx.msk vm4, v22  }
0xce: {  	[tilespmem:v25+s22+$0x0] =	vst.idx.msk vm4, v28  }
0xcf: {  	[tilespmem:v26+s23+$0x0] =	vst.idx.msk vm2, v23  }
0xd0: {  	v21 =	vadd.s32 $0xFFFCF2C0, v21;
	[tilespmem:v26+s24+$0x0] =	vst.idx.msk vm2, v28  }
.Ltmp2:
0xd1: {  	[tilespmem:v24+s25+$0x0] =	vst.idx.msk vm1, v21;
	(pc) =	sbr.rel @p0 .LBB2_2-.Ltmp2, $4  }
0xd2: {  	s3 =	sshra.s32 s18, $0x2;
	[tilespmem:v24+s26+$0x0] =	vst.idx.msk vm1, v28  }
0xd3: {  	v21 =	vld [tilespmem:s3+$0x0]  }
0xd4: {  	s3 =	spop (v2sf)  }
0xd5: {  	s7 =	smov.u32 s4;
	s5 =	sadd.s32 s5, s3;
	s30 =	spop (v2sf)  }
0xd6: {  	_ =	sdelay $0x1  }
0xd7: {  	vm4 =	vlt.s32 v21, $0x4E20  }
0xd8: {  	v22 =	vsel vm4, $0x1, v0  }
0xd9: {  	(xrf0) =	vadd.scan.msk.s32 $0xffff, v22;
	_ =	sdelay $0x5  }
0xda: {  	v23 =	vadd.s32 $0xFFFFB1E0, v21;
	v27, _, _ =	vpop (xrf0)  }
0xdb: {  	vm3 =	vlt.u32 v23, $0x4E20;
	(v2sf) =	vpush v27, $0xF  }
0xdc: {  	v25 =	vadd.s32 $0xFFFF63C0, v21;
	vm1 =	vgt.s32 v21, $0x30D3F;
	v24 =	vsel vm3, $0x1, v0  }
0xdd: {  	vm2 =	vlt.u32 v25, $0x27100;
	v26 =	vsel vm1, $0x1, v0;
	(xrf0) =	vadd.scan.msk.s32 $0xffff, v24  }
0xde: {  	v28 =	vsel vm2, $0x1, v0;
	(xrf0) =	vadd.scan.msk.s32 $0xffff, v26  }
0xdf: {  	(xrf0) =	vadd.scan.msk.s32 $0xffff, v28;
	_ =	sdelay $0x3  }
0xe0: {  	v29, _, _ =	vpop (xrf0)  }
0xe1: {  	(v2sf) =	vpush v29, $0xF;
	v30, _, _ =	vpop (xrf0)  }
0xe2: {  	v31, _, _ =	vpop (xrf0);
	(v2sf) =	vpush v30, $0xF  }
0xe3: {  	(v2sf) =	vpush v31, $0xF;
	_ =	sdelay $0x1  }
0xe4: {  	s3 =	spop (v2sf);
	v22 =	vsub.s32 v27, v22  }
0xe5: {  	s7 =	spop (v2sf);
	v22 =	vadd.s32 s5, v22  }
0xe6: {  	s4 =	sadd.s32 s17, s30;
	v24 =	vsub.s32 v29, v24;
	s18 =	spop (v2sf)  }
0xe7: {  	v24 =	vadd.s32 s4, v24;
	s17 =	sadd.s32 s5, s18  }
0xe8: {  	s7 =	sadd.s32 s31, s7;
	v62 =	vsub.s32 v31, v28;
	s5 =	sadd.s32 $0xF, s17  }
0xe9: {  	s3 =	sadd.s32 s9, s3;
	s31 =	sadd.s32 $0x10, s29;
	v27 =	vadd.s32 s7, v62;
	s18 =	sand.u32 $0xF, s5  }
0xea: {  	v63 =	vor.u32 s31, v1;
	v26 =	vsub.s32 v30, v26;
	[tilespmem:v22+s19+$0x0] =	vst.idx.msk vm4, v21;
	s29 =	sshra.s32 s5, $0x1F;
	p0 =	slt.s32 s5, $0x1;
	p1 =	sne.s32 s18, $0x0  }
0xeb: {  	[tilespmem:v22+s20+$0x0] =	vst.idx.msk vm4, v63;
	v22 =	vadd.s32 s3, v26;
	s30 =	sshrl.u32 s29, $0x1C;
	p0 =	por !p0, !p1  }
0xec: {  	s9 =	simm.s32 $0x1;
	[tilespmem:v24+s21+$0x0] =	vst.idx.msk vm3, v23;
	s5 =	sadd.s32 s30, s5;
	p0 =	por !p0, !p0  }
0xed: {  	[tilespmem:v24+s22+$0x0] =	vst.idx.msk vm3, v63;
	s17 =	sshra.s32 s5, $0x4;
	s9 =	simm.s32 @!p0 $0x0  }
0xee: {  	[tilespmem:v27+s23+$0x0] =	vst.idx.msk vm2, v25;
	s9 =	ssub.s32 s17, s9  }
0xef: {  	v21 =	vadd.s32 $0xFFFCF2C0, v21;
	[tilespmem:v27+s24+$0x0] =	vst.idx.msk vm2, v63;
	s18 =	spop (v2sf);
	p1 =	slt.s32 s9, $0x1  }
.Ltmp3:
0xf0: {  	[tilespmem:v22+s25+$0x0] =	vst.idx.msk vm1, v21;
	s31 =	spop (v2sf);
	(pc) =	sbr.rel @p1 .LBB2_8-.Ltmp3, $4  }
0xf1: {  	[tilespmem:v22+s26+$0x0] =	vst.idx.msk vm1, v63;
	s29 =	spop (v2sf);
	s3 =	sadd.s32 s3, s31  }
0xf2: {  	_ =	strace $0x9000004A;
	[dreg:$0xc] =	wrdreg s3;
	s31 =	sadd.s32 s7, s29  }
0xf3: {  	[dreg:$0xd] =	wrdreg s31  }
0xf4: {  	s4 =	sadd.s32 s4, s18;
	_ =	strace $0x8000004B  }
0xf5: {  	v21 =	vld [tilespmem:$0x100];
	_ =	sdelay $0x4  }
0xf6: {  	v22 =	vshll.u32 v21, $0x3  }
0xf7: {  	v21 =	vand.u32 $0x7, v21;
	v22 =	vand.u32 $0xFFFFFFC0, v22  }
0xf8: {  	v21 =	vor.u32 v21, v22  }
0xf9: {  	v22 =	vperm.xlane v21, v3;
	_ =	sdelay $0x1  }
0xfa: {  	v22 =	vadd.s32 v4, v22;
	_ =	sdelay $0x3  }
0xfb: {  	s7 =	simm.s32 $0x900  }
0xfc: {  	[tilespmem:s7], [sflag:$0x1] =	stream.indirect_vreg.gather [hbm4b:s1+s6], $0x80, v22, vm0, $0x2000b8;
	[tilespmem:$0xF900] =	vst v63  }
0xfd: {  	s18 =	simm.s32 $0x1100;
	v21 =	vperm.xlane v21, v5  }
0xfe: {  	[tilespmem:s18], [sflag:$0x1] =	stream.indirect_vreg.gather [hbm4b:s10+s6], $0x80, v22, vm0, $0x2000b8;
	[tilespmem:$0xF900] =	vst v63  }
0xff: {  	s30 =	simm.s32 $0x1900;
	v21 =	vadd.s32 v4, v21  }
0x100: {  	[tilespmem:s30], [sflag:$0x1] =	stream.indirect_vreg.gather [hbm4b:s11+s6], $0x80, v22, vm0, $0x2000b8;
	[tilespmem:$0xF900] =	vst v63  }
0x101: {  	s31 =	simm.s32 $0x2100  }
0x102: {  	[tilespmem:s31], [sflag:$0x1] =	stream.indirect_vreg.gather [hbm4b:s12+s6], $0x80, v22, vm0, $0x2000b8;
	[tilespmem:$0xF900] =	vst v63  }
0x103: {  	s5 =	simm.s32 $0x2900  }
0x104: {  	[tilespmem:s5], [sflag:$0x1] =	stream.indirect_vreg.gather [hbm4b:s1+s6], $0x80, v21, vm0, $0x2000b8;
	[tilespmem:$0xF900] =	vst v63  }
0x105: {  	s29 =	simm.s32 $0x3100  }
0x106: {  	[tilespmem:s29], [sflag:$0x1] =	stream.indirect_vreg.gather [hbm4b:s10+s6], $0x80, v21, vm0, $0x2000b8;
	[tilespmem:$0xF900] =	vst v63  }
0x107: {  	s2 =	simm.s32 $0x3900  }
0x108: {  	[tilespmem:s2], [sflag:$0x1] =	stream.indirect_vreg.gather [hbm4b:s11+s6], $0x80, v21, vm0, $0x2000b8;
	[tilespmem:$0xF900] =	vst v63  }
0x109: {  	[dreg:$0xe] =	wrdreg s4;
	s3 =	simm.s32 $0x4100  }
0x10a: {  	[tilespmem:s3], [sflag:$0x1] =	stream.indirect_vreg.gather [hbm4b:s12+s6], $0x80, v21, vm0, $0x2000b8;
	[tilespmem:$0xF900] =	vst v63  }
0x10b: {  	_ =	swait.ge [sflag:s28], $0x4000  }
0x10c: {  	[sflag:s28] =	ssyncset.done $0x0  }
0x10d: {  	p1 =	seq.s32 s9, $0x1;
	[sflag:s28] =	ssyncadd.s32 $0xFFFFC000  }
0x10e: {  	v21 =	vld @!p1 [tilespmem:$0x110];
	_ =	sdelay $0x4  }
0x10f: {  	v22 =	vshll.u32 @!p1 v21, $0x3  }
0x110: {  	v23 =	vlaneseq.u32 @!p1;
	v21 =	vand.u32 @!p1 $0x7, v21;
	v22 =	vand.u32 @!p1 $0xFFFFFFC0, v22  }
0x111: {  	v24 =	vshrl.u32 @!p1 v23, $0x3;
	v21 =	vor.u32 @!p1 v21, v22;
	v22 =	vand.u32 @!p1 $0x7, v23  }
0x112: {  	v24 =	vmul.u32 @!p1 $0x8, v24;
	v22 =	vperm.xlane @!p1 v21, v22;
	_ =	sdelay $0x1  }
0x113: {  	v22 =	vadd.s32 @!p1 v24, v22;
	_ =	sdelay $0x3  }
0x114: {  	vm1 =	vmmov @!p1 $0xffff;
	s4 =	simm.s32 @!p1 $0x4900;
	s3 =	simm.s32 @!p1 $0x0  }
0x115: {  	v23 =	vor.u32 @!p1 $0x8, v23;
	[tilespmem:s4], [sflag:$0x1] =	stream.indirect_vreg.gather @!p1 [hbm4b:s1+s3], $0x80, v22, vm1, $0x2000b8;
	[tilespmem:$0xF900] =	vst v63  }
0x116: {  	v21 =	vperm.xlane @!p1 v21, v23;
	s4 =	simm.s32 @!p1 $0x5100  }
0x117: {  	[tilespmem:s4], [sflag:$0x1] =	stream.indirect_vreg.gather @!p1 [hbm4b:s10+s3], $0x80, v22, vm1, $0x2000b8;
	[tilespmem:$0xF900] =	vst v63  }
0x118: {  	v21 =	vadd.s32 @!p1 v24, v21;
	s4 =	simm.s32 @!p1 $0x5900  }
0x119: {  	[tilespmem:s4], [sflag:$0x1] =	stream.indirect_vreg.gather @!p1 [hbm4b:s11+s3], $0x80, v22, vm1, $0x2000b8;
	[tilespmem:$0xF900] =	vst v63  }
0x11a: {  	s4 =	simm.s32 @!p1 $0x6100  }
0x11b: {  	[tilespmem:s4], [sflag:$0x1] =	stream.indirect_vreg.gather @!p1 [hbm4b:s12+s3], $0x80, v22, vm1, $0x2000b8;
	[tilespmem:$0xF900] =	vst v63  }
0x11c: {  	s4 =	simm.s32 @!p1 $0x6900  }
0x11d: {  	[tilespmem:s4], [sflag:$0x1] =	stream.indirect_vreg.gather @!p1 [hbm4b:s1+s3], $0x80, v21, vm1, $0x2000b8;
	[tilespmem:$0xF900] =	vst v63  }
0x11e: {  	s4 =	simm.s32 @!p1 $0x7100  }
0x11f: {  	[tilespmem:s4], [sflag:$0x1] =	stream.indirect_vreg.gather @!p1 [hbm4b:s10+s3], $0x80, v21, vm1, $0x2000b8;
	[tilespmem:$0xF900] =	vst v63  }
0x120: {  	s4 =	simm.s32 @!p1 $0x7900  }
0x121: {  	[tilespmem:s4], [sflag:$0x1] =	stream.indirect_vreg.gather @!p1 [hbm4b:s11+s3], $0x80, v21, vm1, $0x2000b8;
	[tilespmem:$0xF900] =	vst v63  }
0x122: {  	s4 =	simm.s32 @!p1 $0x8100  }
0x123: {  	[tilespmem:s4], [sflag:$0x1] =	stream.indirect_vreg.gather @!p1 [hbm4b:s12+s3], $0x80, v21, vm1, $0x2000b8;
	[tilespmem:$0xF900] =	vst v63  }
0x124: {  	v21 =	vld [tilespmem:$0x500];
	_ =	sdelay $0x4  }
0x125: {  	v22 =	vshll.u32 v21, $0x3  }
0x126: {  	v21 =	vand.u32 $0x7, v21;
	v22 =	vand.u32 $0xFFFFFFC0, v22  }
0x127: {  	v21 =	vor.u32 v21, v22  }
0x128: {  	v22 =	vperm.xlane v21, v3;
	_ =	sdelay $0x1  }
0x129: {  	v22 =	vadd.s32 v4, v22;
	_ =	sdelay $0x4  }
0x12a: {  	[hbm4b:s8+s6] =	stream.indirect_vreg.scatter [tilespmem:s7], [sflag:$0x2], $0x80, v22, vm0, $0x2000b8;
	[tilespmem:$0xF900] =	vst v63  }
0x12b: {  	v21 =	vperm.xlane v21, v5  }
0x12c: {  	[hbm4b:s13+s6] =	stream.indirect_vreg.scatter [tilespmem:s18], [sflag:$0x2], $0x80, v22, vm0, $0x2000b8;
	[tilespmem:$0xF900] =	vst v63  }
0x12d: {  	v21 =	vadd.s32 v4, v21  }
0x12e: {  	[hbm4b:s14+s6] =	stream.indirect_vreg.scatter [tilespmem:s30], [sflag:$0x2], $0x80, v22, vm0, $0x2000b8;
	[tilespmem:$0xF900] =	vst v63  }
0x12f: {  	_ = 	snop  }
0x130: {  	[hbm4b:s15+s6] =	stream.indirect_vreg.scatter [tilespmem:s31], [sflag:$0x2], $0x80, v22, vm0, $0x2000b8;
	[tilespmem:$0xF900] =	vst v63  }
0x131: {  	_ = 	snop  }
0x132: {  	[hbm4b:s8+s6] =	stream.indirect_vreg.scatter [tilespmem:s5], [sflag:$0x2], $0x80, v21, vm0, $0x2000b8;
	[tilespmem:$0xF900] =	vst v63  }
0x133: {  	_ = 	snop  }
0x134: {  	[hbm4b:s13+s6] =	stream.indirect_vreg.scatter [tilespmem:s29], [sflag:$0x2], $0x80, v21, vm0, $0x2000b8;
	[tilespmem:$0xF900] =	vst v63  }
.Ltmp4:
0x135: {  	_ = 	snop;
	(pc) =	sbr.rel @p1 .LBB2_7-.Ltmp4, $4  }
0x136: {  	_ = 	snop  }
0x137: {  	[hbm4b:s14+s6] =	stream.indirect_vreg.scatter [tilespmem:s2], [sflag:$0x2], $0x80, v21, vm0, $0x2000b8;
	[tilespmem:$0xF900] =	vst v63  }
0x138: {  	s31 =	simm.s32 $0x4100  }
0x139: {  	[hbm4b:s15+s6] =	stream.indirect_vreg.scatter [tilespmem:s31], [sflag:$0x2], $0x80, v21, vm0, $0x2000b8;
	[tilespmem:$0xF900] =	vst v63  }
0x13a: {  	s3 =	simm.s32 $0xFFFFFFFF  }
0x13b: {  	s3 =	simm.s32 @!p0 $0x0  }
0x13c: {  	s3 =	sadd.s32 s3, s17  }
0x13d: {  	s18 =	simm.s32 $0x120;
	s7 =	simm.s32 $0x20000;
	s3 =	sadd.s32 $0xFFFFFFFF, s3  }
0x13e: {  	s31 =	simm.s32 $0x0;
	s17 =	simm.s32 $0x510;
	[dreg:$0x7] =	wrdreg s3  }
.LBB2_6:
0x13f: {  	_ =	swait.ge [sflag:s28], $0x4000  }
0x140: {  	[sflag:s28] =	ssyncset.done $0x0  }
0x141: {  	[sflag:s28] =	ssyncadd.s32 $0xFFFFC000  }
0x142: {  	_ =	swait.ge [sflag:s0], $0x4000  }
0x143: {  	s3 =	sadd.s32 $0x2, s31;
	[sflag:s0] =	ssyncset.done $0x0  }
0x144: {  	p0 =	sge.s32 s3, s9;
	[sflag:s0] =	ssyncadd.s32 $0xFFFFC000  }
0x145: {  	v21 =	vld @!p0 [tilespmem:s18+$0x0];
	_ =	sdelay $0x4  }
0x146: {  	v22 =	vshll.u32 @!p0 v21, $0x3  }
0x147: {  	v23 =	vlaneseq.u32 @!p0;
	v21 =	vand.u32 @!p0 $0x7, v21;
	v22 =	vand.u32 @!p0 $0xFFFFFFC0, v22  }
0x148: {  	v24 =	vshrl.u32 @!p0 v23, $0x3;
	v21 =	vor.u32 @!p0 v21, v22;
	v22 =	vand.u32 @!p0 $0x7, v23  }
0x149: {  	v24 =	vmul.u32 @!p0 $0x8, v24;
	v22 =	vperm.xlane @!p0 v21, v22;
	_ =	sdelay $0x1  }
0x14a: {  	v22 =	vadd.s32 @!p0 v24, v22;
	_ =	sdelay $0x1  }
0x14b: {  	s3 =	sshrl.u32 @!p0 s7, $0x2  }
0x14c: {  	s3 =	sand.u32 @!p0 $0x4000, s3  }
0x14d: {  	vm1 =	vmmov @!p0 $0xffff;
	s30 =	simm.s32 @!p0 $0x0;
	s4 =	sor.u32 @!p0 $0x900, s3  }
0x14e: {  	v23 =	vor.u32 @!p0 $0x8, v23;
	[tilespmem:s4], [sflag:$0x1] =	stream.indirect_vreg.gather @!p0 [hbm4b:s1+s30], $0x80, v22, vm1, $0x2000b8;
	[tilespmem:$0xF900] =	vst v63  }
0x14f: {  	v21 =	vperm.xlane @!p0 v21, v23;
	s4 =	sor.u32 @!p0 $0x1100, s3  }
0x150: {  	[tilespmem:s4], [sflag:$0x1] =	stream.indirect_vreg.gather @!p0 [hbm4b:s10+s30], $0x80, v22, vm1, $0x2000b8;
	[tilespmem:$0xF900] =	vst v63  }
0x151: {  	v21 =	vadd.s32 @!p0 v24, v21;
	s4 =	sor.u32 @!p0 $0x1900, s3  }
0x152: {  	[tilespmem:s4], [sflag:$0x1] =	stream.indirect_vreg.gather @!p0 [hbm4b:s11+s30], $0x80, v22, vm1, $0x2000b8;
	[tilespmem:$0xF900] =	vst v63  }
0x153: {  	s4 =	sor.u32 @!p0 $0x2100, s3  }
0x154: {  	[tilespmem:s4], [sflag:$0x1] =	stream.indirect_vreg.gather @!p0 [hbm4b:s12+s30], $0x80, v22, vm1, $0x2000b8;
	[tilespmem:$0xF900] =	vst v63  }
0x155: {  	s4 =	sor.u32 @!p0 $0x2900, s3  }
0x156: {  	[tilespmem:s4], [sflag:$0x1] =	stream.indirect_vreg.gather @!p0 [hbm4b:s1+s30], $0x80, v21, vm1, $0x2000b8;
	[tilespmem:$0xF900] =	vst v63  }
0x157: {  	s4 =	sor.u32 @!p0 $0x3100, s3  }
0x158: {  	[tilespmem:s4], [sflag:$0x1] =	stream.indirect_vreg.gather @!p0 [hbm4b:s10+s30], $0x80, v21, vm1, $0x2000b8;
	[tilespmem:$0xF900] =	vst v63  }
0x159: {  	s4 =	sor.u32 @!p0 $0x3900, s3  }
0x15a: {  	[tilespmem:s4], [sflag:$0x1] =	stream.indirect_vreg.gather @!p0 [hbm4b:s11+s30], $0x80, v21, vm1, $0x2000b8;
	[tilespmem:$0xF900] =	vst v63  }
0x15b: {  	s3 =	sadd.s32 @!p0 $0x4100, s3  }
0x15c: {  	[tilespmem:s3], [sflag:$0x1] =	stream.indirect_vreg.gather @!p0 [hbm4b:s12+s30], $0x80, v21, vm1, $0x2000b8;
	[tilespmem:$0xF900] =	vst v63  }
0x15d: {  	v21 =	vld [tilespmem:s17+$0x0];
	_ =	sdelay $0x4  }
0x15e: {  	v22 =	vshll.u32 v21, $0x3  }
0x15f: {  	v21 =	vand.u32 $0x7, v21;
	v22 =	vand.u32 $0xFFFFFFC0, v22  }
0x160: {  	v21 =	vor.u32 v21, v22  }
0x161: {  	v22 =	vperm.xlane v21, v3;
	_ =	sdelay $0x1  }
0x162: {  	v22 =	vadd.s32 v4, v22  }
0x163: {  	s30 =	sadd.s32 $0xFFFF0000, s7  }
0x164: {  	s3 =	sand.u32 $0x10000, s30  }
0x165: {  	s3 =	sshrl.u32 s3, $0x2  }
0x166: {  	s2 =	sor.u32 $0x900, s3  }
0x167: {  	[hbm4b:s8+s6] =	stream.indirect_vreg.scatter [tilespmem:s2], [sflag:$0x2], $0x80, v22, vm0, $0x2000b8;
	[tilespmem:$0xF900] =	vst v63  }
0x168: {  	s5 =	sor.u32 $0x1100, s3;
	v21 =	vperm.xlane v21, v5  }
0x169: {  	[hbm4b:s13+s6] =	stream.indirect_vreg.scatter [tilespmem:s5], [sflag:$0x2], $0x80, v22, vm0, $0x2000b8;
	[tilespmem:$0xF900] =	vst v63  }
0x16a: {  	s29 =	sor.u32 $0x1900, s3;
	v21 =	vadd.s32 v4, v21  }
0x16b: {  	[hbm4b:s14+s6] =	stream.indirect_vreg.scatter [tilespmem:s29], [sflag:$0x2], $0x80, v22, vm0, $0x2000b8;
	[tilespmem:$0xF900] =	vst v63  }
0x16c: {  	s30 =	sor.u32 $0x2100, s3  }
0x16d: {  	[hbm4b:s15+s6] =	stream.indirect_vreg.scatter [tilespmem:s30], [sflag:$0x2], $0x80, v22, vm0, $0x2000b8;
	[tilespmem:$0xF900] =	vst v63  }
0x16e: {  	s31 =	sadd.s32 $0x1, s31;
	s2 =	sor.u32 $0x2900, s3;
	s30 =	rddreg [dreg:$0x7]  }
0x16f: {  	[hbm4b:s8+s6] =	stream.indirect_vreg.scatter [tilespmem:s2], [sflag:$0x2], $0x80, v21, vm0, $0x2000b8;
	[tilespmem:$0xF900] =	vst v63  }
0x170: {  	s5 =	sor.u32 $0x3100, s3;
	p0 =	sne.s32 s30, s31  }
0x171: {  	[hbm4b:s13+s6] =	stream.indirect_vreg.scatter [tilespmem:s5], [sflag:$0x2], $0x80, v21, vm0, $0x2000b8;
	[tilespmem:$0xF900] =	vst v63  }
.Ltmp5:
0x172: {  	_ = 	snop;
	(pc) =	sbr.rel @p0 .LBB2_6-.Ltmp5, $4  }
0x173: {  	s18 =	sadd.s32 $0x10, s18;
	s29 =	sor.u32 $0x3900, s3  }
0x174: {  	[hbm4b:s14+s6] =	stream.indirect_vreg.scatter [tilespmem:s29], [sflag:$0x2], $0x80, v21, vm0, $0x2000b8;
	[tilespmem:$0xF900] =	vst v63  }
0x175: {  	s7 =	sadd.s32 $0x10000, s7;
	s17 =	sadd.s32 $0x10, s17;
	s3 =	sadd.s32 $0x4100, s3  }
0x176: {  	[hbm4b:s15+s6] =	stream.indirect_vreg.scatter [tilespmem:s3], [sflag:$0x2], $0x80, v21, vm0, $0x2000b8;
	[tilespmem:$0xF900] =	vst v63  }
.LBB2_7:
0x177: {  	_ =	swait.ge [sflag:s0], $0x4000  }
0x178: {  	[sflag:s0] =	ssyncset.done $0x0  }
0x179: {  	s4 =	rddreg [dreg:$0xe];
	[sflag:s0] =	ssyncadd.s32 $0xFFFFC000  }
0x17a: {  	s2 =	rddreg [dreg:$0x2]  }
.LBB2_8:
0x17b: {  	s3 =	sadd.s32 $0xF, s4  }
0x17c: {  	s4 =	sand.u32 $0xF, s3  }
0x17d: {  	s31 =	sshra.s32 s3, $0x1F;
	p1 =	slt.s32 s3, $0x1;
	p0 =	sne.s32 s4, $0x0  }
0x17e: {  	s4 =	sshrl.u32 s31, $0x1C;
	p0 =	por !p1, !p0  }
0x17f: {  	s3 =	sadd.s32 s4, s3;
	s4 =	simm.s32 $0x1;
	p0 =	por !p0, !p0  }
0x180: {  	s7 =	sshra.s32 s3, $0x4;
	s4 =	simm.s32 @!p0 $0x0  }
0x181: {  	s9 =	ssub.s32 s7, s4  }
0x182: {  	p1 =	slt.s32 s9, $0x1  }
.Ltmp6:
0x183: {  	_ = 	snop;
	(pc) =	sbr.rel @p1 .LBB2_13-.Ltmp6, $3  }
0x184: {  	_ =	sdelay $0x1  }
0x185: {  	_ =	strace $0x9000004B  }
0x186: {  	_ =	strace $0x8000004C  }
0x187: {  	v21 =	vld [tilespmem:$0x200];
	_ =	sdelay $0x4  }
0x188: {  	v22 =	vshll.u32 v21, $0x2  }
0x189: {  	v21 =	vand.u32 $0x7, v21;
	v22 =	vand.u32 $0xFFFFFFE0, v22  }
0x18a: {  	v21 =	vor.u32 v21, v22  }
0x18b: {  	v22 =	vperm.xlane v21, v3;
	_ =	sdelay $0x1  }
0x18c: {  	v22 =	vadd.s32 v4, v22;
	_ =	sdelay $0x1  }
0x18d: {  	v21 =	vperm.xlane v21, v5;
	_ =	sdelay $0x1  }
0x18e: {  	s5 =	simm.s32 $0x8900;
	v21 =	vadd.s32 v4, v21  }
0x18f: {  	[tilespmem:s5], [sflag:$0x1] =	stream.indirect_vreg.gather [hbm4b:s2+s6], $0x80, v22, vm0, $0x2000b8;
	[tilespmem:$0xF900] =	vst v63  }
0x190: {  	s17 =	simm.s32 $0x9100  }
0x191: {  	[tilespmem:s17], [sflag:$0x1] =	stream.indirect_vreg.gather [hbm4b:s16+s6], $0x80, v22, vm0, $0x2000b8;
	[tilespmem:$0xF900] =	vst v63  }
0x192: {  	s18 =	simm.s32 $0x9900  }
0x193: {  	[tilespmem:s18], [sflag:$0x1] =	stream.indirect_vreg.gather [hbm4b:s2+s6], $0x80, v21, vm0, $0x2000b8;
	[tilespmem:$0xF900] =	vst v63  }
0x194: {  	s29 =	simm.s32 $0xA100  }
0x195: {  	[tilespmem:s29], [sflag:$0x1] =	stream.indirect_vreg.gather [hbm4b:s16+s6], $0x80, v21, vm0, $0x2000b8;
	[tilespmem:$0xF900] =	vst v63  }
0x196: {  	_ =	swait.ge [sflag:s28], $0x2000  }
0x197: {  	[sflag:s28] =	ssyncset.done $0x0  }
0x198: {  	p1 =	seq.s32 s9, $0x1;
	[sflag:s28] =	ssyncadd.s32 $0xFFFFE000  }
0x199: {  	v21 =	vld @!p1 [tilespmem:$0x210];
	_ =	sdelay $0x4  }
0x19a: {  	v22 =	vshll.u32 @!p1 v21, $0x2  }
0x19b: {  	v23 =	vlaneseq.u32 @!p1;
	v21 =	vand.u32 @!p1 $0x7, v21;
	v22 =	vand.u32 @!p1 $0xFFFFFFE0, v22  }
0x19c: {  	v24 =	vshrl.u32 @!p1 v23, $0x3;
	v21 =	vor.u32 @!p1 v21, v22;
	v22 =	vand.u32 @!p1 $0x7, v23  }
0x19d: {  	v24 =	vmul.u32 @!p1 $0x8, v24;
	v22 =	vperm.xlane @!p1 v21, v22;
	_ =	sdelay $0x1  }
0x19e: {  	v22 =	vadd.s32 @!p1 v24, v22  }
0x19f: {  	v23 =	vor.u32 @!p1 $0x8, v23  }
0x1a0: {  	v21 =	vperm.xlane @!p1 v21, v23;
	_ =	sdelay $0x1  }
0x1a1: {  	vm1 =	vmmov @!p1 $0xffff;
	s3 =	simm.s32 @!p1 $0x0;
	s4 =	simm.s32 @!p1 $0xA900;
	v21 =	vadd.s32 @!p1 v24, v21  }
0x1a2: {  	[tilespmem:s4], [sflag:$0x1] =	stream.indirect_vreg.gather @!p1 [hbm4b:s2+s3], $0x80, v22, vm1, $0x2000b8;
	[tilespmem:$0xF900] =	vst v63  }
0x1a3: {  	s4 =	simm.s32 @!p1 $0xB100  }
0x1a4: {  	[tilespmem:s4], [sflag:$0x1] =	stream.indirect_vreg.gather @!p1 [hbm4b:s16+s3], $0x80, v22, vm1, $0x2000b8;
	[tilespmem:$0xF900] =	vst v63  }
0x1a5: {  	s4 =	simm.s32 @!p1 $0xB900  }
0x1a6: {  	[tilespmem:s4], [sflag:$0x1] =	stream.indirect_vreg.gather @!p1 [hbm4b:s2+s3], $0x80, v21, vm1, $0x2000b8;
	[tilespmem:$0xF900] =	vst v63  }
0x1a7: {  	s4 =	simm.s32 @!p1 $0xC100  }
0x1a8: {  	[tilespmem:s4], [sflag:$0x1] =	stream.indirect_vreg.gather @!p1 [hbm4b:s16+s3], $0x80, v21, vm1, $0x2000b8;
	[tilespmem:$0xF900] =	vst v63  }
0x1a9: {  	v21 =	vld [tilespmem:$0x600];
	_ =	sdelay $0x4  }
0x1aa: {  	v22 =	vshll.u32 v21, $0x3  }
0x1ab: {  	v21 =	vand.u32 $0x7, v21;
	v22 =	vand.u32 $0xFFFFFFC0, v22  }
0x1ac: {  	v21 =	vor.u32 v21, v22  }
0x1ad: {  	v22 =	vperm.xlane v21, v3;
	_ =	sdelay $0x1  }
0x1ae: {  	v22 =	vadd.s32 v4, v22;
	_ =	sdelay $0x2  }
0x1af: {  	v21 =	vperm.xlane v21, v5;
	_ =	sdelay $0x1  }
0x1b0: {  	v21 =	vadd.s32 v4, v21;
	[hbm4b:s8+s6] =	stream.indirect_vreg.scatter [tilespmem:s5], [sflag:$0x2], $0x80, v22, vm0, $0x2000b8;
	[tilespmem:$0xF900] =	vst v63  }
0x1b1: {  	_ = 	snop  }
0x1b2: {  	[hbm4b:s13+s6] =	stream.indirect_vreg.scatter [tilespmem:s17], [sflag:$0x2], $0x80, v22, vm0, $0x2000b8;
	[tilespmem:$0xF900] =	vst v63  }
.Ltmp7:
0x1b3: {  	_ = 	snop;
	(pc) =	sbr.rel @p1 .LBB2_12-.Ltmp7, $4  }
0x1b4: {  	_ = 	snop  }
0x1b5: {  	[hbm4b:s8+s6] =	stream.indirect_vreg.scatter [tilespmem:s18], [sflag:$0x2], $0x80, v21, vm0, $0x2000b8;
	[tilespmem:$0xF900] =	vst v63  }
0x1b6: {  	_ = 	snop  }
0x1b7: {  	[hbm4b:s13+s6] =	stream.indirect_vreg.scatter [tilespmem:s29], [sflag:$0x2], $0x80, v21, vm0, $0x2000b8;
	[tilespmem:$0xF900] =	vst v63  }
0x1b8: {  	s3 =	simm.s32 $0xFFFFFFFF  }
0x1b9: {  	s3 =	simm.s32 @!p0 $0x0  }
0x1ba: {  	s17 =	simm.s32 $0x610;
	s18 =	simm.s32 $0x220;
	s3 =	sadd.s32 s3, s7  }
0x1bb: {  	s29 =	simm.s32 $0x10000;
	s31 =	simm.s32 $0x0;
	s7 =	sadd.s32 $0xFFFFFFFF, s3  }
.LBB2_11:
0x1bc: {  	_ =	swait.ge [sflag:s28], $0x2000  }
0x1bd: {  	[sflag:s28] =	ssyncset.done $0x0  }
0x1be: {  	[sflag:s28] =	ssyncadd.s32 $0xFFFFE000  }
0x1bf: {  	_ =	swait.ge [sflag:s0], $0x2000  }
0x1c0: {  	s3 =	sadd.s32 $0x2, s31;
	[sflag:s0] =	ssyncset.done $0x0  }
0x1c1: {  	p0 =	sge.s32 s3, s9;
	[sflag:s0] =	ssyncadd.s32 $0xFFFFE000  }
0x1c2: {  	v21 =	vld @!p0 [tilespmem:s18+$0x0];
	_ =	sdelay $0x4  }
0x1c3: {  	v22 =	vshll.u32 @!p0 v21, $0x2  }
0x1c4: {  	v23 =	vlaneseq.u32 @!p0;
	v21 =	vand.u32 @!p0 $0x7, v21;
	v22 =	vand.u32 @!p0 $0xFFFFFFE0, v22  }
0x1c5: {  	v24 =	vshrl.u32 @!p0 v23, $0x3;
	v21 =	vor.u32 @!p0 v21, v22;
	v22 =	vand.u32 @!p0 $0x7, v23  }
0x1c6: {  	v24 =	vmul.u32 @!p0 $0x8, v24;
	v22 =	vperm.xlane @!p0 v21, v22;
	_ =	sdelay $0x1  }
0x1c7: {  	v22 =	vadd.s32 @!p0 v24, v22  }
0x1c8: {  	v23 =	vor.u32 @!p0 $0x8, v23  }
0x1c9: {  	s3 =	sshrl.u32 @!p0 s29, $0x2;
	v21 =	vperm.xlane @!p0 v21, v23  }
0x1ca: {  	s3 =	sand.u32 @!p0 $0x2000, s3  }
0x1cb: {  	vm1 =	vmmov @!p0 $0xffff;
	s30 =	simm.s32 @!p0 $0x0;
	s4 =	sor.u32 @!p0 $0x8900, s3;
	v21 =	vadd.s32 @!p0 v24, v21  }
0x1cc: {  	[tilespmem:s4], [sflag:$0x1] =	stream.indirect_vreg.gather @!p0 [hbm4b:s2+s30], $0x80, v22, vm1, $0x2000b8;
	[tilespmem:$0xF900] =	vst v63  }
0x1cd: {  	s4 =	sor.u32 @!p0 $0x9100, s3  }
0x1ce: {  	[tilespmem:s4], [sflag:$0x1] =	stream.indirect_vreg.gather @!p0 [hbm4b:s16+s30], $0x80, v22, vm1, $0x2000b8;
	[tilespmem:$0xF900] =	vst v63  }
0x1cf: {  	s4 =	sor.u32 @!p0 $0x9900, s3  }
0x1d0: {  	[tilespmem:s4], [sflag:$0x1] =	stream.indirect_vreg.gather @!p0 [hbm4b:s2+s30], $0x80, v21, vm1, $0x2000b8;
	[tilespmem:$0xF900] =	vst v63  }
0x1d1: {  	s3 =	sadd.s32 @!p0 $0xA100, s3  }
0x1d2: {  	[tilespmem:s3], [sflag:$0x1] =	stream.indirect_vreg.gather @!p0 [hbm4b:s16+s30], $0x80, v21, vm1, $0x2000b8;
	[tilespmem:$0xF900] =	vst v63  }
0x1d3: {  	v21 =	vld [tilespmem:s17+$0x0];
	_ =	sdelay $0x4  }
0x1d4: {  	v22 =	vshll.u32 v21, $0x3  }
0x1d5: {  	v21 =	vand.u32 $0x7, v21;
	v22 =	vand.u32 $0xFFFFFFC0, v22  }
0x1d6: {  	v21 =	vor.u32 v21, v22  }
0x1d7: {  	v22 =	vperm.xlane v21, v3;
	_ =	sdelay $0x1  }
0x1d8: {  	v22 =	vadd.s32 v4, v22  }
0x1d9: {  	s5 =	sadd.s32 $0xFFFF8000, s29  }
0x1da: {  	s3 =	sand.u32 $0x8000, s5  }
0x1db: {  	s3 =	sshrl.u32 s3, $0x2;
	v21 =	vperm.xlane v21, v5  }
0x1dc: {  	s31 =	sadd.s32 $0x1, s31;
	s30 =	sor.u32 $0x8900, s3  }
0x1dd: {  	v21 =	vadd.s32 v4, v21;
	[hbm4b:s8+s6] =	stream.indirect_vreg.scatter [tilespmem:s30], [sflag:$0x2], $0x80, v22, vm0, $0x2000b8;
	[tilespmem:$0xF900] =	vst v63  }
0x1de: {  	p0 =	sne.s32 s7, s31;
	s5 =	sor.u32 $0x9100, s3  }
0x1df: {  	[hbm4b:s13+s6] =	stream.indirect_vreg.scatter [tilespmem:s5], [sflag:$0x2], $0x80, v22, vm0, $0x2000b8;
	[tilespmem:$0xF900] =	vst v63  }
.Ltmp8:
0x1e0: {  	_ = 	snop;
	(pc) =	sbr.rel @p0 .LBB2_11-.Ltmp8, $4  }
0x1e1: {  	s29 =	sadd.s32 $0x8000, s29;
	s30 =	sor.u32 $0x9900, s3  }
0x1e2: {  	[hbm4b:s8+s6] =	stream.indirect_vreg.scatter [tilespmem:s30], [sflag:$0x2], $0x80, v21, vm0, $0x2000b8;
	[tilespmem:$0xF900] =	vst v63  }
0x1e3: {  	s18 =	sadd.s32 $0x10, s18;
	s17 =	sadd.s32 $0x10, s17;
	s3 =	sadd.s32 $0xA100, s3  }
0x1e4: {  	[hbm4b:s13+s6] =	stream.indirect_vreg.scatter [tilespmem:s3], [sflag:$0x2], $0x80, v21, vm0, $0x2000b8;
	[tilespmem:$0xF900] =	vst v63  }
.LBB2_12:
0x1e5: {  	_ =	swait.ge [sflag:s0], $0x2000  }
0x1e6: {  	[sflag:s0] =	ssyncset.done $0x0  }
0x1e7: {  	[sflag:s0] =	ssyncadd.s32 $0xFFFFE000  }
.LBB2_13:
0x1e8: {  	s3 =	rddreg [dreg:$0xd]  }
0x1e9: {  	s3 =	sadd.s32 $0xF, s3  }
0x1ea: {  	s4 =	sand.u32 $0xF, s3  }
0x1eb: {  	s30 =	sshra.s32 s3, $0x1F;
	p1 =	slt.s32 s3, $0x1;
	p0 =	sne.s32 s4, $0x0  }
0x1ec: {  	s4 =	sshrl.u32 s30, $0x1C;
	p0 =	por !p1, !p0  }
0x1ed: {  	s3 =	sadd.s32 s4, s3;
	s4 =	simm.s32 $0x1;
	p0 =	por !p0, !p0  }
0x1ee: {  	s7 =	sshra.s32 s3, $0x4;
	s4 =	simm.s32 @!p0 $0x0  }
0x1ef: {  	s5 =	ssub.s32 s7, s4  }
0x1f0: {  	p1 =	slt.s32 s5, $0x1  }
.Ltmp9:
0x1f1: {  	_ = 	snop;
	(pc) =	sbr.rel @p1 .LBB2_18-.Ltmp9, $4  }
0x1f2: {  	_ = 	snop  }
0x1f3: {  	_ =	strace $0x9000004C  }
0x1f4: {  	_ =	strace $0x8000004D  }
0x1f5: {  	s31 =	rddreg [dreg:$0x3]  }
0x1f6: {  	v21 =	vld [tilespmem:$0x300];
	_ =	sdelay $0x4  }
0x1f7: {  	v22 =	vshll.u32 v21, $0x1  }
0x1f8: {  	v21 =	vand.u32 $0x7, v21;
	v22 =	vand.u32 $0xFFFFFFF0, v22  }
0x1f9: {  	v21 =	vor.u32 v21, v22  }
0x1fa: {  	v22 =	vperm.xlane v21, v3;
	_ =	sdelay $0x1  }
0x1fb: {  	v21 =	vperm.xlane v21, v5;
	v22 =	vadd.s32 v4, v22;
	_ =	sdelay $0x1  }
0x1fc: {  	v21 =	vadd.s32 v4, v21;
	_ =	sdelay $0x1  }
0x1fd: {  	s9 =	simm.s32 $0xC900  }
0x1fe: {  	[tilespmem:s9], [sflag:$0x1] =	stream.indirect_vreg.gather [hbm4b:s31+s6], $0x80, v22, vm0, $0x2000b8;
	[tilespmem:$0xF900] =	vst v63  }
0x1ff: {  	s17 =	simm.s32 $0xD100  }
0x200: {  	[tilespmem:s17], [sflag:$0x1] =	stream.indirect_vreg.gather [hbm4b:s31+s6], $0x80, v21, vm0, $0x2000b8;
	[tilespmem:$0xF900] =	vst v63  }
0x201: {  	_ =	swait.ge [sflag:s28], $0x1000  }
0x202: {  	[sflag:s28] =	ssyncset.done $0x0  }
0x203: {  	p1 =	seq.s32 s5, $0x1;
	[sflag:s28] =	ssyncadd.s32 $0xFFFFF000  }
0x204: {  	v21 =	vld @!p1 [tilespmem:$0x310];
	_ =	sdelay $0x4  }
0x205: {  	v22 =	vshll.u32 @!p1 v21, $0x1  }
0x206: {  	v23 =	vlaneseq.u32 @!p1;
	v21 =	vand.u32 @!p1 $0x7, v21;
	v22 =	vand.u32 @!p1 $0xFFFFFFF0, v22  }
0x207: {  	v24 =	vshrl.u32 @!p1 v23, $0x3;
	v21 =	vor.u32 @!p1 v21, v22;
	v22 =	vand.u32 @!p1 $0x7, v23  }
0x208: {  	v24 =	vmul.u32 @!p1 $0x8, v24;
	v22 =	vperm.xlane @!p1 v21, v22  }
0x209: {  	v23 =	vor.u32 @!p1 $0x8, v23  }
0x20a: {  	v21 =	vperm.xlane @!p1 v21, v23;
	v22 =	vadd.s32 @!p1 v24, v22;
	_ =	sdelay $0x1  }
0x20b: {  	v21 =	vadd.s32 @!p1 v24, v21;
	_ =	sdelay $0x1  }
0x20c: {  	vm1 =	vmmov @!p1 $0xffff;
	s3 =	simm.s32 @!p1 $0x0;
	s4 =	simm.s32 @!p1 $0xD900  }
0x20d: {  	[tilespmem:s4], [sflag:$0x1] =	stream.indirect_vreg.gather @!p1 [hbm4b:s31+s3], $0x80, v22, vm1, $0x2000b8;
	[tilespmem:$0xF900] =	vst v63  }
0x20e: {  	s4 =	simm.s32 @!p1 $0xE100  }
0x20f: {  	[tilespmem:s4], [sflag:$0x1] =	stream.indirect_vreg.gather @!p1 [hbm4b:s31+s3], $0x80, v21, vm1, $0x2000b8;
	[tilespmem:$0xF900] =	vst v63  }
0x210: {  	v21 =	vld [tilespmem:$0x700];
	_ =	sdelay $0x4  }
0x211: {  	v22 =	vshll.u32 v21, $0x3  }
0x212: {  	v21 =	vand.u32 $0x7, v21;
	v22 =	vand.u32 $0xFFFFFFC0, v22  }
0x213: {  	v21 =	vor.u32 v21, v22  }
0x214: {  	v22 =	vperm.xlane v21, v3;
	_ =	sdelay $0x1  }
0x215: {  	v21 =	vperm.xlane v21, v5;
	v22 =	vadd.s32 v4, v22;
	_ =	sdelay $0x1  }
0x216: {  	v21 =	vadd.s32 v4, v21  }
.Ltmp10:
0x217: {  	_ = 	snop;
	(pc) =	sbr.rel @p1 .LBB2_17-.Ltmp10, $4  }
0x218: {  	_ = 	snop  }
0x219: {  	[hbm4b:s8+s6] =	stream.indirect_vreg.scatter [tilespmem:s9], [sflag:$0x2], $0x80, v22, vm0, $0x2000b8;
	[tilespmem:$0xF900] =	vst v63  }
0x21a: {  	_ = 	snop  }
0x21b: {  	[hbm4b:s8+s6] =	stream.indirect_vreg.scatter [tilespmem:s17], [sflag:$0x2], $0x80, v21, vm0, $0x2000b8;
	[tilespmem:$0xF900] =	vst v63  }
0x21c: {  	s3 =	simm.s32 $0xFFFFFFFF  }
0x21d: {  	s3 =	simm.s32 @!p0 $0x0  }
0x21e: {  	s9 =	simm.s32 $0x710;
	s17 =	simm.s32 $0x320;
	s3 =	sadd.s32 s3, s7  }
0x21f: {  	s18 =	simm.s32 $0x8000;
	s29 =	simm.s32 $0x0;
	s7 =	sadd.s32 $0xFFFFFFFF, s3  }
.LBB2_16:
0x220: {  	_ =	swait.ge [sflag:s28], $0x1000  }
0x221: {  	[sflag:s28] =	ssyncset.done $0x0  }
0x222: {  	[sflag:s28] =	ssyncadd.s32 $0xFFFFF000  }
0x223: {  	_ =	swait.ge [sflag:s0], $0x1000  }
0x224: {  	s3 =	sadd.s32 $0x2, s29;
	[sflag:s0] =	ssyncset.done $0x0  }
0x225: {  	p0 =	sge.s32 s3, s5;
	[sflag:s0] =	ssyncadd.s32 $0xFFFFF000  }
0x226: {  	v21 =	vld @!p0 [tilespmem:s17+$0x0];
	_ =	sdelay $0x4  }
0x227: {  	v22 =	vshll.u32 @!p0 v21, $0x1  }
0x228: {  	v23 =	vlaneseq.u32 @!p0;
	v21 =	vand.u32 @!p0 $0x7, v21;
	v22 =	vand.u32 @!p0 $0xFFFFFFF0, v22  }
0x229: {  	v24 =	vshrl.u32 @!p0 v23, $0x3;
	v21 =	vor.u32 @!p0 v21, v22;
	v22 =	vand.u32 @!p0 $0x7, v23  }
0x22a: {  	v24 =	vmul.u32 @!p0 $0x8, v24;
	v22 =	vperm.xlane @!p0 v21, v22  }
0x22b: {  	v23 =	vor.u32 @!p0 $0x8, v23  }
0x22c: {  	v21 =	vperm.xlane @!p0 v21, v23;
	v22 =	vadd.s32 @!p0 v24, v22;
	_ =	sdelay $0x1  }
0x22d: {  	s3 =	sshrl.u32 @!p0 s18, $0x2;
	v21 =	vadd.s32 @!p0 v24, v21  }
0x22e: {  	s3 =	sand.u32 @!p0 $0x1000, s3  }
0x22f: {  	vm1 =	vmmov @!p0 $0xffff;
	s30 =	simm.s32 @!p0 $0x0;
	s4 =	sor.u32 @!p0 $0xC900, s3  }
0x230: {  	[tilespmem:s4], [sflag:$0x1] =	stream.indirect_vreg.gather @!p0 [hbm4b:s31+s30], $0x80, v22, vm1, $0x2000b8;
	[tilespmem:$0xF900] =	vst v63  }
0x231: {  	s3 =	sadd.s32 @!p0 $0xD100, s3  }
0x232: {  	[tilespmem:s3], [sflag:$0x1] =	stream.indirect_vreg.gather @!p0 [hbm4b:s31+s30], $0x80, v21, vm1, $0x2000b8;
	[tilespmem:$0xF900] =	vst v63  }
0x233: {  	v21 =	vld [tilespmem:s9+$0x0];
	_ =	sdelay $0x4  }
0x234: {  	v22 =	vshll.u32 v21, $0x3  }
0x235: {  	v21 =	vand.u32 $0x7, v21;
	v22 =	vand.u32 $0xFFFFFFC0, v22  }
0x236: {  	v21 =	vor.u32 v21, v22  }
0x237: {  	v22 =	vperm.xlane v21, v3;
	_ =	sdelay $0x1  }
0x238: {  	v21 =	vperm.xlane v21, v5;
	v22 =	vadd.s32 v4, v22  }
0x239: {  	s29 =	sadd.s32 $0x1, s29;
	s4 =	sadd.s32 $0xFFFFC000, s18  }
0x23a: {  	s3 =	sand.u32 $0x4000, s4;
	p0 =	sne.s32 s7, s29;
	v21 =	vadd.s32 v4, v21  }
.Ltmp11:
0x23b: {  	s3 =	sshrl.u32 s3, $0x2;
	(pc) =	sbr.rel @p0 .LBB2_16-.Ltmp11, $4  }
0x23c: {  	s17 =	sadd.s32 $0x10, s17;
	s30 =	sor.u32 $0xC900, s3  }
0x23d: {  	[hbm4b:s8+s6] =	stream.indirect_vreg.scatter [tilespmem:s30], [sflag:$0x2], $0x80, v22, vm0, $0x2000b8;
	[tilespmem:$0xF900] =	vst v63  }
0x23e: {  	s18 =	sadd.s32 $0x4000, s18;
	s9 =	sadd.s32 $0x10, s9;
	s3 =	sadd.s32 $0xD100, s3  }
0x23f: {  	[hbm4b:s8+s6] =	stream.indirect_vreg.scatter [tilespmem:s3], [sflag:$0x2], $0x80, v21, vm0, $0x2000b8;
	[tilespmem:$0xF900] =	vst v63  }
.LBB2_17:
0x240: {  	_ =	swait.ge [sflag:s0], $0x1000  }
0x241: {  	[sflag:s0] =	ssyncset.done $0x0  }
0x242: {  	[sflag:s0] =	ssyncadd.s32 $0xFFFFF000  }
.LBB2_18:
0x243: {  	s3 =	rddreg [dreg:$0xc]  }
0x244: {  	s3 =	sadd.s32 $0xF, s3  }
0x245: {  	s4 =	sand.u32 $0xF, s3  }
0x246: {  	s31 =	sshra.s32 s3, $0x1F;
	p1 =	slt.s32 s3, $0x1;
	p0 =	sne.s32 s4, $0x0  }
0x247: {  	s4 =	sshrl.u32 s31, $0x1C;
	p0 =	por !p1, !p0  }
0x248: {  	s3 =	sadd.s32 s4, s3;
	s4 =	simm.s32 $0x1;
	p0 =	por !p0, !p0  }
0x249: {  	s3 =	sshra.s32 s3, $0x4;
	s4 =	simm.s32 @!p0 $0x0  }
0x24a: {  	s5 =	ssub.s32 s3, s4  }
0x24b: {  	p0 =	slt.s32 s5, $0x1  }
.Ltmp12:
0x24c: {  	_ = 	snop;
	(pc) =	sbr.rel @p0 .LBB2_22-.Ltmp12, $4  }
0x24d: {  	_ = 	snop  }
0x24e: {  	_ =	strace $0x9000004D  }
0x24f: {  	_ =	strace $0x8000004E  }
0x250: {  	s4 =	rddreg [dreg:$0xb]  }
0x251: {  	v21 =	vld [tilespmem:$0x400];
	_ =	sdelay $0x5  }
0x252: {  	s9 =	simm.s32 $0x0;
	s7 =	rddreg [dreg:$0x4];
	s3 =	simm.s32 $0xE900  }
0x253: {  	s17 =	simm.s32 $0x800;
	s29 =	simm.s32 $0x410;
	s31 =	simm.s32 $0x2000  }
0x254: {  	[tilespmem:s3], [sflag:$0x1] =	stream.indirect_vreg.gather [hbm4b:s7+s9], $0x80, v21, vm0, $0x2000b8;
	[tilespmem:$0xF900] =	vst v63  }
.LBB2_20:
0x255: {  	_ =	swait.ge [sflag:s28], $0x800  }
0x256: {  	p0 =	seq.s32 s9, $0x0;
	[sflag:s28] =	ssyncset.done $0x0  }
0x257: {  	s3 =	simm.s32 @!p0 $0x2;
	[sflag:s28] =	ssyncadd.s32 $0xFFFFF800  }
0x258: {  	_ =	swait.ge @!p0 [sflag:s3], $0x800  }
0x259: {  	s9 =	sadd.s32 $0x1, s9;
	[sflag:s3] =	ssyncset.done @!p0 $0x0  }
0x25a: {  	[sflag:s3] =	ssyncadd.s32 @!p0 $0xFFFFF800;
	p0 =	sge.s32 s9, s5  }
0x25b: {  	v21 =	vld @!p0 [tilespmem:s29+$0x0];
	_ =	sdelay $0x4  }
0x25c: {  	s3 =	sand.u32 @!p0 $0x2000, s31  }
0x25d: {  	s3 =	sshrl.u32 @!p0 s3, $0x2  }
0x25e: {  	vm1 =	vmmov @!p0 $0xffff;
	s4 =	simm.s32 @!p0 $0x0;
	s3 =	sadd.s32 @!p0 $0xE900, s3  }
0x25f: {  	[tilespmem:s3], [sflag:$0x1] =	stream.indirect_vreg.gather @!p0 [hbm4b:s7+s4], $0x80, v21, vm1, $0x2000b8;
	[tilespmem:$0xF900] =	vst v63  }
0x260: {  	v21 =	vld [tilespmem:s17+$0x0];
	_ =	sdelay $0x4  }
0x261: {  	v22 =	vshll.u32 v21, $0x3  }
0x262: {  	v21 =	vand.u32 $0x7, v21;
	v22 =	vand.u32 $0xFFFFFFC0, v22  }
0x263: {  	v21 =	vor.u32 v21, v22  }
0x264: {  	v23 =	vmul.u32 $0x8, v1;
	v22 =	vperm.xlane v21, v0;
	_ =	sdelay $0x1  }
0x265: {  	v24 =	vperm.xlane v21, v8;
	v22 =	vadd.s32 v23, v22  }
0x266: {  	s18 =	sadd.s32 $0xFFFFE000, s31  }
0x267: {  	s3 =	sand.u32 $0x2000, s18;
	v25 =	vperm.xlane v21, v9;
	v24 =	vadd.s32 v23, v24  }
0x268: {  	s3 =	sshrl.u32 s3, $0x2  }
0x269: {  	vm1 =	vmmov $0x1;
	s30 =	sadd.s32 $0xE900, s3;
	v26 =	vperm.xlane v21, v7;
	v25 =	vadd.s32 v23, v25  }
0x26a: {  	[hbm4b:s8+s6] =	stream.indirect_vreg.scatter [tilespmem:s30], [sflag:$0x2], $0x80, v22, vm1, $0x2000b8;
	[tilespmem:$0xF900] =	vst v63  }
0x26b: {  	s18 =	sadd.s32 $0xE980, s3;
	v45 =	vperm.xlane v21, v10;
	v22 =	vadd.s32 v23, v26  }
0x26c: {  	[hbm4b:s8+s6] =	stream.indirect_vreg.scatter [tilespmem:s18], [sflag:$0x2], $0x80, v24, vm1, $0x2000b8;
	[tilespmem:$0xF900] =	vst v63  }
0x26d: {  	v47 =	vperm.xlane v21, v11;
	v46 =	vadd.s32 v23, v45;
	s30 =	sadd.s32 $0xEA00, s3  }
0x26e: {  	[hbm4b:s8+s6] =	stream.indirect_vreg.scatter [tilespmem:s30], [sflag:$0x2], $0x80, v25, vm1, $0x2000b8;
	[tilespmem:$0xF900] =	vst v63  }
0x26f: {  	v49 =	vperm.xlane v21, v12;
	v48 =	vadd.s32 v23, v47;
	s18 =	sadd.s32 $0xEA80, s3  }
0x270: {  	[hbm4b:s8+s6] =	stream.indirect_vreg.scatter [tilespmem:s18], [sflag:$0x2], $0x80, v22, vm1, $0x2000b8;
	[tilespmem:$0xF900] =	vst v63  }
0x271: {  	v50 =	vperm.xlane v21, v6;
	s30 =	sadd.s32 $0xEB00, s3;
	v22 =	vadd.s32 v23, v49  }
0x272: {  	[hbm4b:s8+s6] =	stream.indirect_vreg.scatter [tilespmem:s30], [sflag:$0x2], $0x80, v46, vm1, $0x2000b8;
	[tilespmem:$0xF900] =	vst v63  }
0x273: {  	v52 =	vperm.xlane v21, v13;
	v51 =	vadd.s32 v23, v50;
	s18 =	sadd.s32 $0xEB80, s3  }
0x274: {  	[hbm4b:s8+s6] =	stream.indirect_vreg.scatter [tilespmem:s18], [sflag:$0x2], $0x80, v48, vm1, $0x2000b8;
	[tilespmem:$0xF900] =	vst v63  }
0x275: {  	v54 =	vperm.xlane v21, v14;
	v53 =	vadd.s32 v23, v52;
	s30 =	sadd.s32 $0xEC00, s3  }
0x276: {  	[hbm4b:s8+s6] =	stream.indirect_vreg.scatter [tilespmem:s30], [sflag:$0x2], $0x80, v22, vm1, $0x2000b8;
	[tilespmem:$0xF900] =	vst v63  }
0x277: {  	v55 =	vperm.xlane v21, v15;
	s18 =	sadd.s32 $0xEC80, s3;
	v22 =	vadd.s32 v23, v54  }
0x278: {  	[hbm4b:s8+s6] =	stream.indirect_vreg.scatter [tilespmem:s18], [sflag:$0x2], $0x80, v51, vm1, $0x2000b8;
	[tilespmem:$0xF900] =	vst v63  }
0x279: {  	v57 =	vperm.xlane v21, v16;
	v56 =	vadd.s32 v23, v55;
	s30 =	sadd.s32 $0xED00, s3  }
0x27a: {  	[hbm4b:s8+s6] =	stream.indirect_vreg.scatter [tilespmem:s30], [sflag:$0x2], $0x80, v53, vm1, $0x2000b8;
	[tilespmem:$0xF900] =	vst v63  }
0x27b: {  	v59 =	vperm.xlane v21, v17;
	v58 =	vadd.s32 v23, v57;
	s18 =	sadd.s32 $0xED80, s3  }
0x27c: {  	[hbm4b:s8+s6] =	stream.indirect_vreg.scatter [tilespmem:s18], [sflag:$0x2], $0x80, v22, vm1, $0x2000b8;
	[tilespmem:$0xF900] =	vst v63  }
0x27d: {  	v60 =	vperm.xlane v21, v18;
	s30 =	sadd.s32 $0xEE00, s3;
	v22 =	vadd.s32 v23, v59  }
0x27e: {  	[hbm4b:s8+s6] =	stream.indirect_vreg.scatter [tilespmem:s30], [sflag:$0x2], $0x80, v56, vm1, $0x2000b8;
	[tilespmem:$0xF900] =	vst v63  }
0x27f: {  	v61 =	vadd.s32 v23, v60;
	s18 =	sadd.s32 $0xEE80, s3  }
0x280: {  	v62 =	vperm.xlane v21, v19;
	[hbm4b:s8+s6] =	stream.indirect_vreg.scatter [tilespmem:s18], [sflag:$0x2], $0x80, v58, vm1, $0x2000b8;
	[tilespmem:$0xF900] =	vst v63  }
0x281: {  	s30 =	sadd.s32 $0xEF00, s3  }
0x282: {  	v21 =	vperm.xlane v21, v20;
	v63 =	vadd.s32 v23, v62;
	[hbm4b:s8+s6] =	stream.indirect_vreg.scatter [tilespmem:s30], [sflag:$0x2], $0x80, v22, vm1, $0x2000b8;
	[tilespmem:$0xF900] =	vst v63  }
0x283: {  	p0 =	sne.s32 s5, s9;
	s18 =	sadd.s32 $0xEF80, s3  }
0x284: {  	v21 =	vadd.s32 v23, v21;
	[hbm4b:s8+s6] =	stream.indirect_vreg.scatter [tilespmem:s18], [sflag:$0x2], $0x80, v61, vm1, $0x2000b8;
	[tilespmem:$0xF900] =	vst v63  }
.Ltmp13:
0x285: {  	_ = 	snop;
	(pc) =	sbr.rel @p0 .LBB2_20-.Ltmp13, $4  }
0x286: {  	s29 =	sadd.s32 $0x10, s29;
	s30 =	sor.u32 $0xF000, s3  }
0x287: {  	[hbm4b:s8+s6] =	stream.indirect_vreg.scatter [tilespmem:s30], [sflag:$0x2], $0x80, v63, vm1, $0x2000b8;
	[tilespmem:$0xF900] =	vst v63  }
0x288: {  	s31 =	sadd.s32 $0x2000, s31;
	s17 =	sadd.s32 $0x10, s17;
	s3 =	sor.u32 $0xF080, s3  }
0x289: {  	[hbm4b:s8+s6] =	stream.indirect_vreg.scatter [tilespmem:s3], [sflag:$0x2], $0x80, v21, vm1, $0x2000b8;
	[tilespmem:$0xF900] =	vst v63  }
.Ltmp14:
0x28a: {  	(pc) =	sbr.rel .LBB2_22-.Ltmp14, $4  }
0x28b: {  	_ = 	snop  }
0x28c: {  	_ =	swait.ge [sflag:s0], $0x800  }
0x28d: {  	[sflag:s0] =	ssyncset.done $0x0  }
0x28e: {  	s4 =	rddreg [dreg:$0xb];
	[sflag:s0] =	ssyncadd.s32 $0xFFFFF800  }
.LBB2_23:
0x28f: {  	_ =	sfence.sel $0x180000  }
0x290: {  	[bflag:$0x0] =	sbarrier.arrive $0xFFFF  }
0x291: {  	_ =	strace $0x90000047  }
0x292: {  	s0 =	stileid.u32;
	[bflag:$0x2] =	sbarrier.arrive $0xFFFF  }
0x293: {  	p0 =	sne.s32 s0, $0x0;
	s0 =	rddreg [dreg:$0x6]  }
0x294: {  	s0 =	sadd.s32 @!p0 $0x100000, s0  }
0x295: {  	[sflag:s0] =	ssyncadd.tile.s32 @!p0 $0x1;
	_ =	shalt  }
.Lfunc_end2:
_tile_overlayer_lowered:
.L_overlay_start_2:
0x296: {  	(tag) =	ssettag $0x2  }
0x297: {  	s0 =	rddreg [dreg:$0x0];
	s2 =	stileid.u32  }
0x298: {  	s1 =	rddreg [dreg:$0x1];
	p0 =	sne.s32 s2, $0x0  }
0x299: {  	s3 =	rddreg [dreg:$0x2];
	[bflag:$0x3] =	sbarrier.arrive $0xFFFF;
	s2 =	simm.s32 @!p0 $0x1C03  }
0x29a: {  	[timem:s3], [sflag:s2] =	dma.local @!p0 [hbm:s0], s1  }
0x29b: {  	s0 =	simm.s32 @!p0 $0x3  }
0x29c: {  	_ =	swait.ge @!p0 [sflag:s0], s1  }
0x29d: {  	s1 =	ssub.s32 @!p0 $0x0, s1;
	[sflag:s0] =	ssyncset.done @!p0 $0x0  }
0x29e: {  	[sflag:s0] =	ssyncadd.s32 @!p0 s1  }
0x29f: {  	[bflag:$0x3] =	sbarrier.arrive $0xFFFF  }
0x2a0: {  	_ =	shalt  }

</sc_bundles>
